<compile_context>
chip_gen: v7x
topology: tpu7x:2x2x1
jax: 0.10.2.dev20260603
libtpu: 0.0.44.dev20260713+nightly
codegen_flags: <defaults>
</compile_context>

<pallas_src>
import jax
import jax.numpy as jnp
from jax import lax
from jax.experimental import pallas as pl
from jax.experimental.pallas import tpu as pltpu
from jax.experimental.pallas import tpu_sc as plsc

_V = 1000
_D = 64
_DP = 128
_B = 16384
_NC = 2
_NS = 16
_NW = _NC * _NS
_BPW = _B // _NW
_CHUNK = 128
_NCHUNK = _BPW // _CHUNK


def _gather_body(idx_hbm, table_hbm, out_hbm, idx_v, rows_v, rowsT_v, sem, sem2):
    wid = lax.axis_index("s") * _NC + lax.axis_index("c")
    base = wid * _BPW
    idx_copies = [
        pltpu.async_copy(
            idx_hbm.at[pl.ds(base + j * _CHUNK, _CHUNK)],
            idx_v.at[pl.ds(j * _CHUNK, _CHUNK)],
            sem2,
        )
        for j in range(_NCHUNK)
    ]
    copies = []
    for j in range(_NCHUNK):
        idx_copies[j].wait()
        copies.append(
            pltpu.async_copy(
                table_hbm.at[idx_v.at[pl.ds(j * _CHUNK, _CHUNK)]],
                rows_v.at[pl.ds(j * _CHUNK, _CHUNK)],
                sem,
            )
        )
    iota16 = lax.iota(jnp.int32, 16)
    half = _D // 2
    dvecs = [half + q * 16 + iota16 for q in range((_D - half) // 16)]
    dhis = [dv // 8 for dv in dvecs]
    dlos = [dv % 8 for dv in dvecs]
    wbs = []
    for j in range(_NCHUNK):
        copies[j].wait()
        jv = jnp.zeros((16,), jnp.int32) + j

        @plsc.parallel_loop(jnp.int32(0), jnp.int32(_CHUNK), jnp.int32(1), unroll=4)
        def _tr(i, j=j, jv=jv):
            d = i // 4
            d_hi = d // 8
            d_lo = d % 8
            col = jnp.zeros((16,), jnp.int32) + d
            for gg in range(2):
                g = (i % 4) * 2 + gg
                val = plsc.load_gather(
                    rows_v, [iota16 + j * _CHUNK + g * 16, col]
                )
                rowsT_v[d_hi, jnp.int32(j), d_lo, pl.ds(g * 16, 16)] = val
            bv = jnp.zeros((16,), jnp.int32) + i
            for q in range((_D - half) // 16):
                row = rows_v[i + j * _CHUNK, pl.ds(half + q * 16, 16)]
                plsc.store_scatter(rowsT_v, [dhis[q], jv, dlos[q], bv], row)

        wbs.append(
            pltpu.async_copy(
                rowsT_v.at[:, pl.ds(j, 1), :, :],
                out_hbm.at[:, pl.ds(wid * _NCHUNK + j, 1), :, :],
                sem2,
            )
        )
    for w in wbs:
        w.wait()


def kernel(x, table):
    idx = x.astype(jnp.int32)
    f = pl.kernel(
        _gather_body,
        out_type=jax.ShapeDtypeStruct((_D // 8, _B // _CHUNK, 8, _CHUNK), jnp.float32),
        mesh=plsc.VectorSubcoreMesh(core_axis_name="c", subcore_axis_name="s"),
        scratch_types=[
            pltpu.VMEM((_BPW,), jnp.int32),
            pltpu.VMEM((_BPW, _D), jnp.float32),
            pltpu.VMEM((_D // 8, _NCHUNK, 8, _CHUNK), jnp.float32),
            pltpu.SemaphoreType.DMA,
            pltpu.SemaphoreType.DMA,
        ],
        compiler_params=pltpu.CompilerParams(
            use_tc_tiling_on_sc=False, needs_layout_passes=False
        ),
    )
    return f(idx, table).transpose(1, 3, 0, 2).reshape(_B, _D)

# --- scband reference (transcript-rebuilt; emitter-appended) ---
"""Pipeline reference for scband-expandable-vocabulary-embedding-70626442216099 (READ-ONLY COPY).

The authoritative reference and input builder live on the scoring server;
editing this copy changes nothing except your own understanding.
"""

import jax, jax.numpy as jnp
import numpy as np
jax.config.update("jax_enable_x64", True)

VOCAB = 1000
EMBED_DIM = 64
BATCH = 16384


def setup_inputs(seed: int = 0) -> dict:
    key = jax.random.key(seed)
    k_table, k_x = jax.random.split(key)
    # nn.Embedding default init: N(0, 1)
    table = jax.random.normal(k_table, (VOCAB, EMBED_DIM), dtype=jnp.float32)
    x = jax.random.randint(k_x, (BATCH,), 0, VOCAB, dtype=jnp.int64)
    return {"x": x, "table": table}


def reference(x, table):
    # vocabulary_dict maps item i -> i for the initial vocab list [0..VOCAB-1],
    # and all lookup values are in-range, so forward is a pure embedding gather.
    return jnp.take(table, x, axis=0)

if __name__ == "__main__":
    import jax
    _d = setup_inputs()
    print(jax.jit(kernel)(*tuple(_d.values())))

</pallas_src>

<mosaic_0001>
#map = affine_map<(d0, d1) -> (0)>
#map1 = affine_map<(d0, d1) -> (0, 0)>
#map2 = affine_map<(d0, d1) -> (0, 0, 0, 0)>
module attributes {stable_mosaic.version = 14 : i64} {
  func.func @_gather_body(%arg0: i32, %arg1: i32, %arg2: memref<16384xi32, #tpu.memory_space<hbm>>, %arg3: memref<1000x64xf32, #tpu.memory_space<hbm>>, %arg4: memref<8x128x8x128xf32, #tpu.memory_space<hbm>>, %arg5: memref<512xi32, #tpu.memory_space<vmem>>, %arg6: memref<512x64xf32, #tpu.memory_space<vmem>>, %arg7: memref<8x4x8x128xf32, #tpu.memory_space<vmem>>, %arg8: memref<!tpu.dma_semaphore, #tpu.memory_space<semaphore_mem>>, %arg9: memref<!tpu.dma_semaphore, #tpu.memory_space<semaphore_mem>>) attributes {dimension_semantics = [#tpu.dimension_semantics<core_parallel>, #tpu.dimension_semantics<subcore_parallel>], iteration_bounds = array<i64: 2, 16>, scalar_prefetch = 0 : i64, scratch_operands = 5 : i64, tpu.core_type = #tpu.core_type<sc_vector_subcore>, window_params = [{transform_indices = #map}, {transform_indices = #map1}, {transform_indices = #map2}]} {
    %mul3A = arith.constant 2 : i32
    %mul3A_0 = arith.muli %arg1, %mul3A : i32
    %add3A = arith.addi %mul3A_0, %arg0 : i32
    %mul3A_1 = arith.constant 512 : i32
    %mul3A_2 = arith.muli %add3A, %mul3A_1 : i32
    %add3A_3 = arith.constant 0 : i32
    %add3A_4 = arith.addi %mul3A_2, %add3A_3 : i32
    %dma_start3A = arith.constant 0 : i32
    %dma_start3A_5 = tpu.memref_slice %arg5[%dma_start3A] : memref<512xi32, #tpu.memory_space<vmem>> -> memref<128xi32, #tpu.memory_space<vmem>>
    %dma_start3A_6 = tpu.memref_slice %arg2[%add3A_4] : memref<16384xi32, #tpu.memory_space<hbm>> -> memref<128xi32, #tpu.memory_space<hbm>>
    %dma_start3A_7 = arith.constant 0 : i32
    %dma_start3A_8 = tpu.memref_slice %arg5[%dma_start3A_7] : memref<512xi32, #tpu.memory_space<vmem>> -> memref<128xi32, #tpu.memory_space<vmem>>
    %dma_start3A_9 = tpu.memref_slice %arg2[%add3A_4] : memref<16384xi32, #tpu.memory_space<hbm>> -> memref<128xi32, #tpu.memory_space<hbm>>
    tpu.enqueue_dma source(%dma_start3A_9 : memref<128xi32, #tpu.memory_space<hbm>>) target(%dma_start3A_8 : memref<128xi32, #tpu.memory_space<vmem>>) target_semaphore(%arg9 : memref<!tpu.dma_semaphore, #tpu.memory_space<semaphore_mem>>)
    %add3A_10 = arith.constant 128 : i32
    %add3A_11 = arith.addi %mul3A_2, %add3A_10 : i32
    %dma_start3A_12 = arith.constant 128 : i32
    %dma_start3A_13 = tpu.memref_slice %arg5[%dma_start3A_12] : memref<512xi32, #tpu.memory_space<vmem>> -> memref<128xi32, #tpu.memory_space<vmem>>
    %dma_start3A_14 = tpu.memref_slice %arg2[%add3A_11] : memref<16384xi32, #tpu.memory_space<hbm>> -> memref<128xi32, #tpu.memory_space<hbm>>
    %dma_start3A_15 = arith.constant 128 : i32
    %dma_start3A_16 = tpu.memref_slice %arg5[%dma_start3A_15] : memref<512xi32, #tpu.memory_space<vmem>> -> memref<128xi32, #tpu.memory_space<vmem>>
    %dma_start3A_17 = tpu.memref_slice %arg2[%add3A_11] : memref<16384xi32, #tpu.memory_space<hbm>> -> memref<128xi32, #tpu.memory_space<hbm>>
    tpu.enqueue_dma source(%dma_start3A_17 : memref<128xi32, #tpu.memory_space<hbm>>) target(%dma_start3A_16 : memref<128xi32, #tpu.memory_space<vmem>>) target_semaphore(%arg9 : memref<!tpu.dma_semaphore, #tpu.memory_space<semaphore_mem>>)
    %add3A_18 = arith.constant 256 : i32
    %add3A_19 = arith.addi %mul3A_2, %add3A_18 : i32
    %dma_start3A_20 = arith.constant 256 : i32
    %dma_start3A_21 = tpu.memref_slice %arg5[%dma_start3A_20] : memref<512xi32, #tpu.memory_space<vmem>> -> memref<128xi32, #tpu.memory_space<vmem>>
    %dma_start3A_22 = tpu.memref_slice %arg2[%add3A_19] : memref<16384xi32, #tpu.memory_space<hbm>> -> memref<128xi32, #tpu.memory_space<hbm>>
    %dma_start3A_23 = arith.constant 256 : i32
    %dma_start3A_24 = tpu.memref_slice %arg5[%dma_start3A_23] : memref<512xi32, #tpu.memory_space<vmem>> -> memref<128xi32, #tpu.memory_space<vmem>>
    %dma_start3A_25 = tpu.memref_slice %arg2[%add3A_19] : memref<16384xi32, #tpu.memory_space<hbm>> -> memref<128xi32, #tpu.memory_space<hbm>>
    tpu.enqueue_dma source(%dma_start3A_25 : memref<128xi32, #tpu.memory_space<hbm>>) target(%dma_start3A_24 : memref<128xi32, #tpu.memory_space<vmem>>) target_semaphore(%arg9 : memref<!tpu.dma_semaphore, #tpu.memory_space<semaphore_mem>>)
    %add3A_26 = arith.constant 384 : i32
    %add3A_27 = arith.addi %mul3A_2, %add3A_26 : i32
    %dma_start3A_28 = arith.constant 384 : i32
    %dma_start3A_29 = tpu.memref_slice %arg5[%dma_start3A_28] : memref<512xi32, #tpu.memory_space<vmem>> -> memref<128xi32, #tpu.memory_space<vmem>>
    %dma_start3A_30 = tpu.memref_slice %arg2[%add3A_27] : memref<16384xi32, #tpu.memory_space<hbm>> -> memref<128xi32, #tpu.memory_space<hbm>>
    %dma_start3A_31 = arith.constant 384 : i32
    %dma_start3A_32 = tpu.memref_slice %arg5[%dma_start3A_31] : memref<512xi32, #tpu.memory_space<vmem>> -> memref<128xi32, #tpu.memory_space<vmem>>
    %dma_start3A_33 = tpu.memref_slice %arg2[%add3A_27] : memref<16384xi32, #tpu.memory_space<hbm>> -> memref<128xi32, #tpu.memory_space<hbm>>
    tpu.enqueue_dma source(%dma_start3A_33 : memref<128xi32, #tpu.memory_space<hbm>>) target(%dma_start3A_32 : memref<128xi32, #tpu.memory_space<vmem>>) target_semaphore(%arg9 : memref<!tpu.dma_semaphore, #tpu.memory_space<semaphore_mem>>)
    %dma_wait3A = arith.constant 0 : i32
    %dma_wait3A_34 = tpu.memref_slice %arg5[%dma_wait3A] : memref<512xi32, #tpu.memory_space<vmem>> -> memref<128xi32, #tpu.memory_space<vmem>>
    %dma_wait3A_35 = tpu.memref_slice %arg2[%add3A_4] : memref<16384xi32, #tpu.memory_space<hbm>> -> memref<128xi32, #tpu.memory_space<hbm>>
    %dma_wait3A_36 = arith.constant 0 : i32
    %dma_wait3A_37 = tpu.memref_slice %arg5[%dma_wait3A_36] : memref<512xi32, #tpu.memory_space<vmem>> -> memref<128xi32, #tpu.memory_space<vmem>>
    %dma_wait3A_38 = tpu.memref_slice %arg2[%add3A_4] : memref<16384xi32, #tpu.memory_space<hbm>> -> memref<128xi32, #tpu.memory_space<hbm>>
    tpu.wait_dma2 semaphore(%arg9 : memref<!tpu.dma_semaphore, #tpu.memory_space<semaphore_mem>>) src(%dma_wait3A_38 : memref<128xi32, #tpu.memory_space<hbm>>) dst(%dma_wait3A_37 : memref<128xi32, #tpu.memory_space<vmem>>)
    %dma_start3A_39 = arith.constant 0 : i32
    %dma_start3A_40 = arith.constant 0 : i32
    %dma_start3A_41 = tpu.memref_slice %arg6[%dma_start3A_39, %dma_start3A_40] : memref<512x64xf32, #tpu.memory_space<vmem>> -> memref<128x64xf32, #tpu.memory_space<vmem>>
    %dma_start3A_42 = arith.constant 0 : i32
    %dma_start3A_43 = tpu.memref_slice %arg5[%dma_start3A_42] : memref<512xi32, #tpu.memory_space<vmem>> -> memref<128xi32, #tpu.memory_space<vmem>>
    %dma_start3A_44 = arith.constant 0 : i32
    %dma_start3A_45 = arith.constant 0 : i32
    %dma_start3A_46 = tpu.memref_slice %arg3[%dma_start3A_44, %dma_start3A_45] : memref<1000x64xf32, #tpu.memory_space<hbm>> -> memref<1000x64xf32, #tpu.memory_space<hbm>>
    tpu.enqueue_indirect_dma source(%dma_start3A_46 : memref<1000x64xf32, #tpu.memory_space<hbm>>) target(%dma_start3A_41 : memref<128x64xf32, #tpu.memory_space<vmem>>) offsets(%dma_start3A_43 : memref<128xi32, #tpu.memory_space<vmem>>) semaphore(%arg8 : memref<!tpu.dma_semaphore, #tpu.memory_space<semaphore_mem>>)
    %dma_wait3A_47 = arith.constant 128 : i32
    %dma_wait3A_48 = tpu.memref_slice %arg5[%dma_wait3A_47] : memref<512xi32, #tpu.memory_space<vmem>> -> memref<128xi32, #tpu.memory_space<vmem>>
    %dma_wait3A_49 = tpu.memref_slice %arg2[%add3A_11] : memref<16384xi32, #tpu.memory_space<hbm>> -> memref<128xi32, #tpu.memory_space<hbm>>
    %dma_wait3A_50 = arith.constant 128 : i32
    %dma_wait3A_51 = tpu.memref_slice %arg5[%dma_wait3A_50] : memref<512xi32, #tpu.memory_space<vmem>> -> memref<128xi32, #tpu.memory_space<vmem>>
    %dma_wait3A_52 = tpu.memref_slice %arg2[%add3A_11] : memref<16384xi32, #tpu.memory_space<hbm>> -> memref<128xi32, #tpu.memory_space<hbm>>
    tpu.wait_dma2 semaphore(%arg9 : memref<!tpu.dma_semaphore, #tpu.memory_space<semaphore_mem>>) src(%dma_wait3A_52 : memref<128xi32, #tpu.memory_space<hbm>>) dst(%dma_wait3A_51 : memref<128xi32, #tpu.memory_space<vmem>>)
    %dma_start3A_53 = arith.constant 128 : i32
    %dma_start3A_54 = arith.constant 0 : i32
    %dma_start3A_55 = tpu.memref_slice %arg6[%dma_start3A_53, %dma_start3A_54] : memref<512x64xf32, #tpu.memory_space<vmem>> -> memref<128x64xf32, #tpu.memory_space<vmem>>
    %dma_start3A_56 = arith.constant 128 : i32
    %dma_start3A_57 = tpu.memref_slice %arg5[%dma_start3A_56] : memref<512xi32, #tpu.memory_space<vmem>> -> memref<128xi32, #tpu.memory_space<vmem>>
    %dma_start3A_58 = arith.constant 0 : i32
    %dma_start3A_59 = arith.constant 0 : i32
    %dma_start3A_60 = tpu.memref_slice %arg3[%dma_start3A_58, %dma_start3A_59] : memref<1000x64xf32, #tpu.memory_space<hbm>> -> memref<1000x64xf32, #tpu.memory_space<hbm>>
    tpu.enqueue_indirect_dma source(%dma_start3A_60 : memref<1000x64xf32, #tpu.memory_space<hbm>>) target(%dma_start3A_55 : memref<128x64xf32, #tpu.memory_space<vmem>>) offsets(%dma_start3A_57 : memref<128xi32, #tpu.memory_space<vmem>>) semaphore(%arg8 : memref<!tpu.dma_semaphore, #tpu.memory_space<semaphore_mem>>)
    %dma_wait3A_61 = arith.constant 256 : i32
    %dma_wait3A_62 = tpu.memref_slice %arg5[%dma_wait3A_61] : memref<512xi32, #tpu.memory_space<vmem>> -> memref<128xi32, #tpu.memory_space<vmem>>
    %dma_wait3A_63 = tpu.memref_slice %arg2[%add3A_19] : memref<16384xi32, #tpu.memory_space<hbm>> -> memref<128xi32, #tpu.memory_space<hbm>>
    %dma_wait3A_64 = arith.constant 256 : i32
    %dma_wait3A_65 = tpu.memref_slice %arg5[%dma_wait3A_64] : memref<512xi32, #tpu.memory_space<vmem>> -> memref<128xi32, #tpu.memory_space<vmem>>
    %dma_wait3A_66 = tpu.memref_slice %arg2[%add3A_19] : memref<16384xi32, #tpu.memory_space<hbm>> -> memref<128xi32, #tpu.memory_space<hbm>>
    tpu.wait_dma2 semaphore(%arg9 : memref<!tpu.dma_semaphore, #tpu.memory_space<semaphore_mem>>) src(%dma_wait3A_66 : memref<128xi32, #tpu.memory_space<hbm>>) dst(%dma_wait3A_65 : memref<128xi32, #tpu.memory_space<vmem>>)
    %dma_start3A_67 = arith.constant 256 : i32
    %dma_start3A_68 = arith.constant 0 : i32
    %dma_start3A_69 = tpu.memref_slice %arg6[%dma_start3A_67, %dma_start3A_68] : memref<512x64xf32, #tpu.memory_space<vmem>> -> memref<128x64xf32, #tpu.memory_space<vmem>>
    %dma_start3A_70 = arith.constant 256 : i32
    %dma_start3A_71 = tpu.memref_slice %arg5[%dma_start3A_70] : memref<512xi32, #tpu.memory_space<vmem>> -> memref<128xi32, #tpu.memory_space<vmem>>
    %dma_start3A_72 = arith.constant 0 : i32
    %dma_start3A_73 = arith.constant 0 : i32
    %dma_start3A_74 = tpu.memref_slice %arg3[%dma_start3A_72, %dma_start3A_73] : memref<1000x64xf32, #tpu.memory_space<hbm>> -> memref<1000x64xf32, #tpu.memory_space<hbm>>
    tpu.enqueue_indirect_dma source(%dma_start3A_74 : memref<1000x64xf32, #tpu.memory_space<hbm>>) target(%dma_start3A_69 : memref<128x64xf32, #tpu.memory_space<vmem>>) offsets(%dma_start3A_71 : memref<128xi32, #tpu.memory_space<vmem>>) semaphore(%arg8 : memref<!tpu.dma_semaphore, #tpu.memory_space<semaphore_mem>>)
    %dma_wait3A_75 = arith.constant 384 : i32
    %dma_wait3A_76 = tpu.memref_slice %arg5[%dma_wait3A_75] : memref<512xi32, #tpu.memory_space<vmem>> -> memref<128xi32, #tpu.memory_space<vmem>>
    %dma_wait3A_77 = tpu.memref_slice %arg2[%add3A_27] : memref<16384xi32, #tpu.memory_space<hbm>> -> memref<128xi32, #tpu.memory_space<hbm>>
    %dma_wait3A_78 = arith.constant 384 : i32
    %dma_wait3A_79 = tpu.memref_slice %arg5[%dma_wait3A_78] : memref<512xi32, #tpu.memory_space<vmem>> -> memref<128xi32, #tpu.memory_space<vmem>>
    %dma_wait3A_80 = tpu.memref_slice %arg2[%add3A_27] : memref<16384xi32, #tpu.memory_space<hbm>> -> memref<128xi32, #tpu.memory_space<hbm>>
    tpu.wait_dma2 semaphore(%arg9 : memref<!tpu.dma_semaphore, #tpu.memory_space<semaphore_mem>>) src(%dma_wait3A_80 : memref<128xi32, #tpu.memory_space<hbm>>) dst(%dma_wait3A_79 : memref<128xi32, #tpu.memory_space<vmem>>)
    %dma_start3A_81 = arith.constant 384 : i32
    %dma_start3A_82 = arith.constant 0 : i32
    %dma_start3A_83 = tpu.memref_slice %arg6[%dma_start3A_81, %dma_start3A_82] : memref<512x64xf32, #tpu.memory_space<vmem>> -> memref<128x64xf32, #tpu.memory_space<vmem>>
    %dma_start3A_84 = arith.constant 384 : i32
    %dma_start3A_85 = tpu.memref_slice %arg5[%dma_start3A_84] : memref<512xi32, #tpu.memory_space<vmem>> -> memref<128xi32, #tpu.memory_space<vmem>>
    %dma_start3A_86 = arith.constant 0 : i32
    %dma_start3A_87 = arith.constant 0 : i32
    %dma_start3A_88 = tpu.memref_slice %arg3[%dma_start3A_86, %dma_start3A_87] : memref<1000x64xf32, #tpu.memory_space<hbm>> -> memref<1000x64xf32, #tpu.memory_space<hbm>>
    tpu.enqueue_indirect_dma source(%dma_start3A_88 : memref<1000x64xf32, #tpu.memory_space<hbm>>) target(%dma_start3A_83 : memref<128x64xf32, #tpu.memory_space<vmem>>) offsets(%dma_start3A_85 : memref<128xi32, #tpu.memory_space<vmem>>) semaphore(%arg8 : memref<!tpu.dma_semaphore, #tpu.memory_space<semaphore_mem>>)
    %iota3A = tpu.iota {dimensions = array<i32: 0>} : vector<16xi32>
    %add3A_89 = arith.constant 32 : i32
    %add3A_90 = vector.broadcast %add3A_89 : i32 to vector<16xi32>
    %add3A_91 = arith.addi %add3A_90, %iota3A : vector<16xi32>
    %add3A_92 = arith.constant 48 : i32
    %add3A_93 = vector.broadcast %add3A_92 : i32 to vector<16xi32>
    %add3A_94 = arith.addi %add3A_93, %iota3A : vector<16xi32>
    %jit3A = arith.constant 8 : i64
    %convert_element_type3A = arith.trunci %jit3A : i64 to i32
    %div3A = vector.broadcast %convert_element_type3A : i32 to vector<16xi32>
    %div3A_95 = arith.divsi %add3A_91, %div3A : vector<16xi32>
    %sign3A = arith.constant 0 : i32
    %sign3A_96 = vector.broadcast %sign3A : i32 to vector<16xi32>
    %sign3A_97 = arith.cmpi sgt, %add3A_91, %sign3A_96 : vector<16xi32>
    %sign3A_98 = arith.extui %sign3A_97 : vector<16xi1> to vector<16xi32>
    %sign3A_99 = arith.constant 0 : i32
    %sign3A_100 = vector.broadcast %sign3A_99 : i32 to vector<16xi32>
    %sign3A_101 = arith.cmpi slt, %add3A_91, %sign3A_100 : vector<16xi32>
    %sign3A_102 = arith.extui %sign3A_101 : vector<16xi1> to vector<16xi32>
    %sign3A_103 = arith.subi %sign3A_98, %sign3A_102 : vector<16xi32>
    %sign3A_104 = arith.constant 0 : i32
    %sign3A_105 = arith.cmpi sgt, %convert_element_type3A, %sign3A_104 : i32
    %sign3A_106 = arith.extui %sign3A_105 : i1 to i32
    %sign3A_107 = arith.constant 0 : i32
    %sign3A_108 = arith.cmpi slt, %convert_element_type3A, %sign3A_107 : i32
    %sign3A_109 = arith.extui %sign3A_108 : i1 to i32
    %sign3A_110 = arith.subi %sign3A_106, %sign3A_109 : i32
    %ne3A = vector.broadcast %sign3A_110 : i32 to vector<16xi32>
    %ne3A_111 = arith.cmpi ne, %sign3A_103, %ne3A : vector<16xi32>
    %rem3A = vector.broadcast %convert_element_type3A : i32 to vector<16xi32>
    %rem3A_112 = arith.remsi %add3A_91, %rem3A : vector<16xi32>
    %ne3A_113 = arith.constant 0 : i32
    %ne3A_114 = vector.broadcast %ne3A_113 : i32 to vector<16xi32>
    %ne3A_115 = arith.cmpi ne, %rem3A_112, %ne3A_114 : vector<16xi32>
    %and3A = arith.andi %ne3A_111, %ne3A_115 : vector<16xi1>
    %sub3A = arith.constant 1 : i32
    %sub3A_116 = vector.broadcast %sub3A : i32 to vector<16xi32>
    %sub3A_117 = arith.subi %div3A_95, %sub3A_116 : vector<16xi32>
    %select_n3A = arith.select %and3A, %sub3A_117, %div3A_95 : vector<16xi1>, vector<16xi32>
    %jit3A_118 = arith.constant 8 : i64
    %convert_element_type3A_119 = arith.trunci %jit3A_118 : i64 to i32
    %div3A_120 = vector.broadcast %convert_element_type3A_119 : i32 to vector<16xi32>
    %div3A_121 = arith.divsi %add3A_94, %div3A_120 : vector<16xi32>
    %sign3A_122 = arith.constant 0 : i32
    %sign3A_123 = vector.broadcast %sign3A_122 : i32 to vector<16xi32>
    %sign3A_124 = arith.cmpi sgt, %add3A_94, %sign3A_123 : vector<16xi32>
    %sign3A_125 = arith.extui %sign3A_124 : vector<16xi1> to vector<16xi32>
    %sign3A_126 = arith.constant 0 : i32
    %sign3A_127 = vector.broadcast %sign3A_126 : i32 to vector<16xi32>
    %sign3A_128 = arith.cmpi slt, %add3A_94, %sign3A_127 : vector<16xi32>
    %sign3A_129 = arith.extui %sign3A_128 : vector<16xi1> to vector<16xi32>
    %sign3A_130 = arith.subi %sign3A_125, %sign3A_129 : vector<16xi32>
    %sign3A_131 = arith.constant 0 : i32
    %sign3A_132 = arith.cmpi sgt, %convert_element_type3A_119, %sign3A_131 : i32
    %sign3A_133 = arith.extui %sign3A_132 : i1 to i32
    %sign3A_134 = arith.constant 0 : i32
    %sign3A_135 = arith.cmpi slt, %convert_element_type3A_119, %sign3A_134 : i32
    %sign3A_136 = arith.extui %sign3A_135 : i1 to i32
    %sign3A_137 = arith.subi %sign3A_133, %sign3A_136 : i32
    %ne3A_138 = vector.broadcast %sign3A_137 : i32 to vector<16xi32>
    %ne3A_139 = arith.cmpi ne, %sign3A_130, %ne3A_138 : vector<16xi32>
    %rem3A_140 = vector.broadcast %convert_element_type3A_119 : i32 to vector<16xi32>
    %rem3A_141 = arith.remsi %add3A_94, %rem3A_140 : vector<16xi32>
    %ne3A_142 = arith.constant 0 : i32
    %ne3A_143 = vector.broadcast %ne3A_142 : i32 to vector<16xi32>
    %ne3A_144 = arith.cmpi ne, %rem3A_141, %ne3A_143 : vector<16xi32>
    %and3A_145 = arith.andi %ne3A_139, %ne3A_144 : vector<16xi1>
    %sub3A_146 = arith.constant 1 : i32
    %sub3A_147 = vector.broadcast %sub3A_146 : i32 to vector<16xi32>
    %sub3A_148 = arith.subi %div3A_121, %sub3A_147 : vector<16xi32>
    %select_n3A_149 = arith.select %and3A_145, %sub3A_148, %div3A_121 : vector<16xi1>, vector<16xi32>
    %jit3A_150 = arith.constant 8 : i64
    %convert_element_type3A_151 = arith.trunci %jit3A_150 : i64 to i32
    %eq3A = arith.constant 0 : i32
    %eq3A_152 = arith.cmpi eq, %convert_element_type3A_151, %eq3A : i32
    %jit3A_153 = arith.constant 1 : i32
    %select_n3A_154 = arith.select %eq3A_152, %jit3A_153, %convert_element_type3A_151 : i32
    %rem3A_155 = vector.broadcast %select_n3A_154 : i32 to vector<16xi32>
    %rem3A_156 = arith.remsi %add3A_91, %rem3A_155 : vector<16xi32>
    %ne3A_157 = arith.constant 0 : i32
    %ne3A_158 = vector.broadcast %ne3A_157 : i32 to vector<16xi32>
    %ne3A_159 = arith.cmpi ne, %rem3A_156, %ne3A_158 : vector<16xi32>
    %lt3A = arith.constant 0 : i32
    %lt3A_160 = vector.broadcast %lt3A : i32 to vector<16xi32>
    %lt3A_161 = arith.cmpi slt, %rem3A_156, %lt3A_160 : vector<16xi32>
    %lt3A_162 = arith.constant 0 : i32
    %lt3A_163 = arith.cmpi slt, %select_n3A_154, %lt3A_162 : i32
    %ne3A_164 = vector.broadcast %lt3A_163 : i1 to vector<16xi1>
    %ne3A_165 = vector.broadcast %ne3A_164 : vector<16xi1> to vector<16xi1>
    %ne3A_166 = arith.xori %lt3A_161, %ne3A_165 : vector<16xi1>
    %and3A_167 = arith.andi %ne3A_166, %ne3A_159 : vector<16xi1>
    %add3A_168 = vector.broadcast %select_n3A_154 : i32 to vector<16xi32>
    %add3A_169 = arith.addi %rem3A_156, %add3A_168 : vector<16xi32>
    %select_n3A_170 = arith.select %and3A_167, %add3A_169, %rem3A_156 : vector<16xi1>, vector<16xi32>
    %jit3A_171 = arith.constant 8 : i64
    %convert_element_type3A_172 = arith.trunci %jit3A_171 : i64 to i32
    %eq3A_173 = arith.constant 0 : i32
    %eq3A_174 = arith.cmpi eq, %convert_element_type3A_172, %eq3A_173 : i32
    %jit3A_175 = arith.constant 1 : i32
    %select_n3A_176 = arith.select %eq3A_174, %jit3A_175, %convert_element_type3A_172 : i32
    %rem3A_177 = vector.broadcast %select_n3A_176 : i32 to vector<16xi32>
    %rem3A_178 = arith.remsi %add3A_94, %rem3A_177 : vector<16xi32>
    %ne3A_179 = arith.constant 0 : i32
    %ne3A_180 = vector.broadcast %ne3A_179 : i32 to vector<16xi32>
    %ne3A_181 = arith.cmpi ne, %rem3A_178, %ne3A_180 : vector<16xi32>
    %lt3A_182 = arith.constant 0 : i32
    %lt3A_183 = vector.broadcast %lt3A_182 : i32 to vector<16xi32>
    %lt3A_184 = arith.cmpi slt, %rem3A_178, %lt3A_183 : vector<16xi32>
    %lt3A_185 = arith.constant 0 : i32
    %lt3A_186 = arith.cmpi slt, %select_n3A_176, %lt3A_185 : i32
    %ne3A_187 = vector.broadcast %lt3A_186 : i1 to vector<16xi1>
    %ne3A_188 = vector.broadcast %ne3A_187 : vector<16xi1> to vector<16xi1>
    %ne3A_189 = arith.xori %lt3A_184, %ne3A_188 : vector<16xi1>
    %and3A_190 = arith.andi %ne3A_189, %ne3A_181 : vector<16xi1>
    %add3A_191 = vector.broadcast %select_n3A_176 : i32 to vector<16xi32>
    %add3A_192 = arith.addi %rem3A_178, %add3A_191 : vector<16xi32>
    %select_n3A_193 = arith.select %and3A_190, %add3A_192, %rem3A_178 : vector<16xi1>, vector<16xi32>
    %dma_wait3A_194 = arith.constant 0 : i32
    %dma_wait3A_195 = arith.constant 0 : i32
    %dma_wait3A_196 = tpu.memref_slice %arg6[%dma_wait3A_194, %dma_wait3A_195] : memref<512x64xf32, #tpu.memory_space<vmem>> -> memref<128x64xf32, #tpu.memory_space<vmem>>
    %dma_wait3A_197 = arith.constant 0 : i32
    %dma_wait3A_198 = tpu.memref_slice %arg5[%dma_wait3A_197] : memref<512xi32, #tpu.memory_space<vmem>> -> memref<128xi32, #tpu.memory_space<vmem>>
    %dma_wait3A_199 = arith.constant 0 : i32
    %dma_wait3A_200 = arith.constant 0 : i32
    %dma_wait3A_201 = tpu.memref_slice %arg3[%dma_wait3A_199, %dma_wait3A_200] : memref<1000x64xf32, #tpu.memory_space<hbm>> -> memref<1000x64xf32, #tpu.memory_space<hbm>>
    tpu.wait_indirect_dma semaphore(%arg8 : memref<!tpu.dma_semaphore, #tpu.memory_space<semaphore_mem>>) src(%dma_wait3A_201 : memref<1000x64xf32, #tpu.memory_space<hbm>>) dst(%dma_wait3A_196 : memref<128x64xf32, #tpu.memory_space<vmem>>)
    %broadcast_in_dim3A = arith.constant 0 : i32
    %broadcast_in_dim3A_202 = vector.broadcast %broadcast_in_dim3A : i32 to vector<16xi32>
    %add3A_203 = arith.constant 0 : i32
    %add3A_204 = vector.broadcast %add3A_203 : i32 to vector<16xi32>
    %add3A_205 = arith.addi %broadcast_in_dim3A_202, %add3A_204 : vector<16xi32>
    %parallel_loop3A = arith.constant 0 : i32
    %parallel_loop3A_206 = arith.constant 128 : i32
    %parallel_loop3A_207 = arith.constant 1 : i32
    scf.for %parallel_loop3A_416 = %parallel_loop3A to %parallel_loop3A_206 step %parallel_loop3A_207  : i32 {
      %parallel_loop3A_417 = arith.constant 4 : i64
      %parallel_loop3A_418 = arith.trunci %parallel_loop3A_417 : i64 to i32
      %parallel_loop3A_419 = arith.divsi %parallel_loop3A_416, %parallel_loop3A_418 : i32
      %parallel_loop3A_420 = arith.constant 0 : i32
      %parallel_loop3A_421 = arith.cmpi sgt, %parallel_loop3A_416, %parallel_loop3A_420 : i32
      %parallel_loop3A_422 = arith.extui %parallel_loop3A_421 : i1 to i32
      %parallel_loop3A_423 = arith.constant 0 : i32
      %parallel_loop3A_424 = arith.cmpi slt, %parallel_loop3A_416, %parallel_loop3A_423 : i32
      %parallel_loop3A_425 = arith.extui %parallel_loop3A_424 : i1 to i32
      %parallel_loop3A_426 = arith.subi %parallel_loop3A_422, %parallel_loop3A_425 : i32
      %parallel_loop3A_427 = arith.constant 0 : i32
      %parallel_loop3A_428 = arith.cmpi sgt, %parallel_loop3A_418, %parallel_loop3A_427 : i32
      %parallel_loop3A_429 = arith.extui %parallel_loop3A_428 : i1 to i32
      %parallel_loop3A_430 = arith.constant 0 : i32
      %parallel_loop3A_431 = arith.cmpi slt, %parallel_loop3A_418, %parallel_loop3A_430 : i32
      %parallel_loop3A_432 = arith.extui %parallel_loop3A_431 : i1 to i32
      %parallel_loop3A_433 = arith.subi %parallel_loop3A_429, %parallel_loop3A_432 : i32
      %parallel_loop3A_434 = arith.cmpi ne, %parallel_loop3A_426, %parallel_loop3A_433 : i32
      %parallel_loop3A_435 = arith.remsi %parallel_loop3A_416, %parallel_loop3A_418 : i32
      %parallel_loop3A_436 = arith.constant 0 : i32
      %parallel_loop3A_437 = arith.cmpi ne, %parallel_loop3A_435, %parallel_loop3A_436 : i32
      %parallel_loop3A_438 = arith.andi %parallel_loop3A_434, %parallel_loop3A_437 : i1
      %parallel_loop3A_439 = arith.constant 1 : i32
      %parallel_loop3A_440 = arith.subi %parallel_loop3A_419, %parallel_loop3A_439 : i32
      %parallel_loop3A_441 = arith.select %parallel_loop3A_438, %parallel_loop3A_440, %parallel_loop3A_419 : i32
      %parallel_loop3A_442 = arith.constant 8 : i64
      %parallel_loop3A_443 = arith.trunci %parallel_loop3A_442 : i64 to i32
      %parallel_loop3A_444 = arith.divsi %parallel_loop3A_441, %parallel_loop3A_443 : i32
      %parallel_loop3A_445 = arith.constant 0 : i32
      %parallel_loop3A_446 = arith.cmpi sgt, %parallel_loop3A_441, %parallel_loop3A_445 : i32
      %parallel_loop3A_447 = arith.extui %parallel_loop3A_446 : i1 to i32
      %parallel_loop3A_448 = arith.constant 0 : i32
      %parallel_loop3A_449 = arith.cmpi slt, %parallel_loop3A_441, %parallel_loop3A_448 : i32
      %parallel_loop3A_450 = arith.extui %parallel_loop3A_449 : i1 to i32
      %parallel_loop3A_451 = arith.subi %parallel_loop3A_447, %parallel_loop3A_450 : i32
      %parallel_loop3A_452 = arith.constant 0 : i32
      %parallel_loop3A_453 = arith.cmpi sgt, %parallel_loop3A_443, %parallel_loop3A_452 : i32
      %parallel_loop3A_454 = arith.extui %parallel_loop3A_453 : i1 to i32
      %parallel_loop3A_455 = arith.constant 0 : i32
      %parallel_loop3A_456 = arith.cmpi slt, %parallel_loop3A_443, %parallel_loop3A_455 : i32
      %parallel_loop3A_457 = arith.extui %parallel_loop3A_456 : i1 to i32
      %parallel_loop3A_458 = arith.subi %parallel_loop3A_454, %parallel_loop3A_457 : i32
      %parallel_loop3A_459 = arith.cmpi ne, %parallel_loop3A_451, %parallel_loop3A_458 : i32
      %parallel_loop3A_460 = arith.remsi %parallel_loop3A_441, %parallel_loop3A_443 : i32
      %parallel_loop3A_461 = arith.constant 0 : i32
      %parallel_loop3A_462 = arith.cmpi ne, %parallel_loop3A_460, %parallel_loop3A_461 : i32
      %parallel_loop3A_463 = arith.andi %parallel_loop3A_459, %parallel_loop3A_462 : i1
      %parallel_loop3A_464 = arith.constant 1 : i32
      %parallel_loop3A_465 = arith.subi %parallel_loop3A_444, %parallel_loop3A_464 : i32
      %parallel_loop3A_466 = arith.select %parallel_loop3A_463, %parallel_loop3A_465, %parallel_loop3A_444 : i32
      %parallel_loop3A_467 = arith.constant 8 : i64
      %parallel_loop3A_468 = arith.trunci %parallel_loop3A_467 : i64 to i32
      %parallel_loop3A_469 = arith.constant 0 : i32
      %parallel_loop3A_470 = arith.cmpi eq, %parallel_loop3A_468, %parallel_loop3A_469 : i32
      %parallel_loop3A_471 = arith.constant 1 : i32
      %parallel_loop3A_472 = arith.select %parallel_loop3A_470, %parallel_loop3A_471, %parallel_loop3A_468 : i32
      %parallel_loop3A_473 = arith.remsi %parallel_loop3A_441, %parallel_loop3A_472 : i32
      %parallel_loop3A_474 = arith.constant 0 : i32
      %parallel_loop3A_475 = arith.cmpi ne, %parallel_loop3A_473, %parallel_loop3A_474 : i32
      %parallel_loop3A_476 = arith.constant 0 : i32
      %parallel_loop3A_477 = arith.cmpi slt, %parallel_loop3A_473, %parallel_loop3A_476 : i32
      %parallel_loop3A_478 = arith.constant 0 : i32
      %parallel_loop3A_479 = arith.cmpi slt, %parallel_loop3A_472, %parallel_loop3A_478 : i32
      %parallel_loop3A_480 = arith.xori %parallel_loop3A_477, %parallel_loop3A_479 : i1
      %parallel_loop3A_481 = arith.andi %parallel_loop3A_480, %parallel_loop3A_475 : i1
      %parallel_loop3A_482 = arith.addi %parallel_loop3A_473, %parallel_loop3A_472 : i32
      %parallel_loop3A_483 = arith.select %parallel_loop3A_481, %parallel_loop3A_482, %parallel_loop3A_473 : i32
      %parallel_loop3A_484 = arith.constant 0 : i32
      %parallel_loop3A_485 = vector.broadcast %parallel_loop3A_484 : i32 to vector<16xi32>
      %parallel_loop3A_486 = vector.broadcast %parallel_loop3A_441 : i32 to vector<16xi32>
      %parallel_loop3A_487 = arith.addi %parallel_loop3A_485, %parallel_loop3A_486 : vector<16xi32>
      %parallel_loop3A_488 = arith.constant 4 : i64
      %parallel_loop3A_489 = arith.trunci %parallel_loop3A_488 : i64 to i32
      %parallel_loop3A_490 = arith.constant 0 : i32
      %parallel_loop3A_491 = arith.cmpi eq, %parallel_loop3A_489, %parallel_loop3A_490 : i32
      %parallel_loop3A_492 = arith.constant 1 : i32
      %parallel_loop3A_493 = arith.select %parallel_loop3A_491, %parallel_loop3A_492, %parallel_loop3A_489 : i32
      %parallel_loop3A_494 = arith.remsi %parallel_loop3A_416, %parallel_loop3A_493 : i32
      %parallel_loop3A_495 = arith.constant 0 : i32
      %parallel_loop3A_496 = arith.cmpi ne, %parallel_loop3A_494, %parallel_loop3A_495 : i32
      %parallel_loop3A_497 = arith.constant 0 : i32
      %parallel_loop3A_498 = arith.cmpi slt, %parallel_loop3A_494, %parallel_loop3A_497 : i32
      %parallel_loop3A_499 = arith.constant 0 : i32
      %parallel_loop3A_500 = arith.cmpi slt, %parallel_loop3A_493, %parallel_loop3A_499 : i32
      %parallel_loop3A_501 = arith.xori %parallel_loop3A_498, %parallel_loop3A_500 : i1
      %parallel_loop3A_502 = arith.andi %parallel_loop3A_501, %parallel_loop3A_496 : i1
      %parallel_loop3A_503 = arith.addi %parallel_loop3A_494, %parallel_loop3A_493 : i32
      %parallel_loop3A_504 = arith.select %parallel_loop3A_502, %parallel_loop3A_503, %parallel_loop3A_494 : i32
      %parallel_loop3A_505 = arith.constant 2 : i32
      %parallel_loop3A_506 = arith.muli %parallel_loop3A_504, %parallel_loop3A_505 : i32
      %parallel_loop3A_507 = arith.constant 0 : i32
      %parallel_loop3A_508 = arith.addi %parallel_loop3A_506, %parallel_loop3A_507 : i32
      %parallel_loop3A_509 = arith.constant 0 : i32
      %parallel_loop3A_510 = vector.broadcast %parallel_loop3A_509 : i32 to vector<16xi32>
      %parallel_loop3A_511 = arith.addi %iota3A, %parallel_loop3A_510 : vector<16xi32>
      %parallel_loop3A_512 = arith.constant 16 : i32
      %parallel_loop3A_513 = arith.muli %parallel_loop3A_508, %parallel_loop3A_512 : i32
      %parallel_loop3A_514 = vector.broadcast %parallel_loop3A_513 : i32 to vector<16xi32>
      %parallel_loop3A_515 = arith.addi %parallel_loop3A_511, %parallel_loop3A_514 : vector<16xi32>
      %parallel_loop3A_516 = tpu.vector_load_idx %arg6[%parallel_loop3A_515, %parallel_loop3A_487] : memref<512x64xf32, #tpu.memory_space<vmem>>[vector<16xi32>, vector<16xi32>], vector<16xf32>,
      %parallel_loop3A_517 = arith.constant 16 : i32
      %parallel_loop3A_518 = arith.muli %parallel_loop3A_508, %parallel_loop3A_517 : i32
      %parallel_loop3A_519 = arith.constant 0 : i32
      %parallel_loop3A_520 = arith.index_cast %parallel_loop3A_466 : i32 to index
      %parallel_loop3A_521 = arith.index_cast %parallel_loop3A_519 : i32 to index
      %parallel_loop3A_522 = arith.index_cast %parallel_loop3A_483 : i32 to index
      %parallel_loop3A_523 = arith.index_cast %parallel_loop3A_518 : i32 to index
      %parallel_loop3A_524 = tpu.vector_load %arg7[%parallel_loop3A_520, %parallel_loop3A_521, %parallel_loop3A_522, %parallel_loop3A_523] {strides = array<i32>} : memref<8x4x8x128xf32, #tpu.memory_space<vmem>>, vector<16xf32>,
      tpu.vector_store %arg7[%parallel_loop3A_520, %parallel_loop3A_521, %parallel_loop3A_522, %parallel_loop3A_523], %parallel_loop3A_516 {strides = array<i32>} : memref<8x4x8x128xf32, #tpu.memory_space<vmem>>, vector<16xf32>,
      %parallel_loop3A_525 = arith.constant 4 : i64
      %parallel_loop3A_526 = arith.trunci %parallel_loop3A_525 : i64 to i32
      %parallel_loop3A_527 = arith.constant 0 : i32
      %parallel_loop3A_528 = arith.cmpi eq, %parallel_loop3A_526, %parallel_loop3A_527 : i32
      %parallel_loop3A_529 = arith.constant 1 : i32
      %parallel_loop3A_530 = arith.select %parallel_loop3A_528, %parallel_loop3A_529, %parallel_loop3A_526 : i32
      %parallel_loop3A_531 = arith.remsi %parallel_loop3A_416, %parallel_loop3A_530 : i32
      %parallel_loop3A_532 = arith.constant 0 : i32
      %parallel_loop3A_533 = arith.cmpi ne, %parallel_loop3A_531, %parallel_loop3A_532 : i32
      %parallel_loop3A_534 = arith.constant 0 : i32
      %parallel_loop3A_535 = arith.cmpi slt, %parallel_loop3A_531, %parallel_loop3A_534 : i32
      %parallel_loop3A_536 = arith.constant 0 : i32
      %parallel_loop3A_537 = arith.cmpi slt, %parallel_loop3A_530, %parallel_loop3A_536 : i32
      %parallel_loop3A_538 = arith.xori %parallel_loop3A_535, %parallel_loop3A_537 : i1
      %parallel_loop3A_539 = arith.andi %parallel_loop3A_538, %parallel_loop3A_533 : i1
      %parallel_loop3A_540 = arith.addi %parallel_loop3A_531, %parallel_loop3A_530 : i32
      %parallel_loop3A_541 = arith.select %parallel_loop3A_539, %parallel_loop3A_540, %parallel_loop3A_531 : i32
      %parallel_loop3A_542 = arith.constant 2 : i32
      %parallel_loop3A_543 = arith.muli %parallel_loop3A_541, %parallel_loop3A_542 : i32
      %parallel_loop3A_544 = arith.constant 1 : i32
      %parallel_loop3A_545 = arith.addi %parallel_loop3A_543, %parallel_loop3A_544 : i32
      %parallel_loop3A_546 = arith.constant 0 : i32
      %parallel_loop3A_547 = vector.broadcast %parallel_loop3A_546 : i32 to vector<16xi32>
      %parallel_loop3A_548 = arith.addi %iota3A, %parallel_loop3A_547 : vector<16xi32>
      %parallel_loop3A_549 = arith.constant 16 : i32
      %parallel_loop3A_550 = arith.muli %parallel_loop3A_545, %parallel_loop3A_549 : i32
      %parallel_loop3A_551 = vector.broadcast %parallel_loop3A_550 : i32 to vector<16xi32>
      %parallel_loop3A_552 = arith.addi %parallel_loop3A_548, %parallel_loop3A_551 : vector<16xi32>
      %parallel_loop3A_553 = tpu.vector_load_idx %arg6[%parallel_loop3A_552, %parallel_loop3A_487] : memref<512x64xf32, #tpu.memory_space<vmem>>[vector<16xi32>, vector<16xi32>], vector<16xf32>,
      %parallel_loop3A_554 = arith.constant 16 : i32
      %parallel_loop3A_555 = arith.muli %parallel_loop3A_545, %parallel_loop3A_554 : i32
      %parallel_loop3A_556 = arith.constant 0 : i32
      %parallel_loop3A_557 = arith.index_cast %parallel_loop3A_466 : i32 to index
      %parallel_loop3A_558 = arith.index_cast %parallel_loop3A_556 : i32 to index
      %parallel_loop3A_559 = arith.index_cast %parallel_loop3A_483 : i32 to index
      %parallel_loop3A_560 = arith.index_cast %parallel_loop3A_555 : i32 to index
      %parallel_loop3A_561 = tpu.vector_load %arg7[%parallel_loop3A_557, %parallel_loop3A_558, %parallel_loop3A_559, %parallel_loop3A_560] {strides = array<i32>} : memref<8x4x8x128xf32, #tpu.memory_space<vmem>>, vector<16xf32>,
      tpu.vector_store %arg7[%parallel_loop3A_557, %parallel_loop3A_558, %parallel_loop3A_559, %parallel_loop3A_560], %parallel_loop3A_553 {strides = array<i32>} : memref<8x4x8x128xf32, #tpu.memory_space<vmem>>, vector<16xf32>,
      %parallel_loop3A_562 = arith.constant 0 : i32
      %parallel_loop3A_563 = vector.broadcast %parallel_loop3A_562 : i32 to vector<16xi32>
      %parallel_loop3A_564 = vector.broadcast %parallel_loop3A_416 : i32 to vector<16xi32>
      %parallel_loop3A_565 = arith.addi %parallel_loop3A_563, %parallel_loop3A_564 : vector<16xi32>
      %parallel_loop3A_566 = arith.constant 0 : i32
      %parallel_loop3A_567 = arith.addi %parallel_loop3A_416, %parallel_loop3A_566 : i32
      %parallel_loop3A_568 = arith.index_cast %parallel_loop3A_567 : i32 to index
      %parallel_loop3A_569 = arith.constant 32 : index
      %parallel_loop3A_570 = tpu.vector_load %arg6[%parallel_loop3A_568, %parallel_loop3A_569] {strides = array<i32>} : memref<512x64xf32, #tpu.memory_space<vmem>>, vector<16xf32>,
      tpu.vector_store_idx %arg7[%select_n3A, %add3A_205, %select_n3A_170, %parallel_loop3A_565], %parallel_loop3A_570 : memref<8x4x8x128xf32, #tpu.memory_space<vmem>>[vector<16xi32>, vector<16xi32>, vector<16xi32>, vector<16xi32>], vector<16xf32>,
      %parallel_loop3A_571 = arith.constant 0 : i32
      %parallel_loop3A_572 = arith.addi %parallel_loop3A_416, %parallel_loop3A_571 : i32
      %parallel_loop3A_573 = arith.index_cast %parallel_loop3A_572 : i32 to index
      %parallel_loop3A_574 = arith.constant 48 : index
      %parallel_loop3A_575 = tpu.vector_load %arg6[%parallel_loop3A_573, %parallel_loop3A_574] {strides = array<i32>} : memref<512x64xf32, #tpu.memory_space<vmem>>, vector<16xf32>,
      tpu.vector_store_idx %arg7[%select_n3A_149, %add3A_205, %select_n3A_193, %parallel_loop3A_565], %parallel_loop3A_575 : memref<8x4x8x128xf32, #tpu.memory_space<vmem>>[vector<16xi32>, vector<16xi32>, vector<16xi32>, vector<16xi32>], vector<16xf32>,
    } {sc.loop_unroll_factor = 4 : i64, sc.parallel_access}
    %mul3A_208 = arith.constant 4 : i32
    %mul3A_209 = arith.muli %add3A, %mul3A_208 : i32
    %add3A_210 = arith.constant 0 : i32
    %add3A_211 = arith.addi %mul3A_209, %add3A_210 : i32
    %dma_start3A_212 = arith.constant 0 : i32
    %dma_start3A_213 = arith.constant 0 : i32
    %dma_start3A_214 = arith.constant 0 : i32
    %dma_start3A_215 = arith.constant 0 : i32
    %dma_start3A_216 = tpu.memref_slice %arg7[%dma_start3A_212, %dma_start3A_213, %dma_start3A_214, %dma_start3A_215] : memref<8x4x8x128xf32, #tpu.memory_space<vmem>> -> memref<8x1x8x128xf32, #tpu.memory_space<vmem>>
    %dma_start3A_217 = arith.constant 0 : i32
    %dma_start3A_218 = arith.constant 0 : i32
    %dma_start3A_219 = arith.constant 0 : i32
    %dma_start3A_220 = tpu.memref_slice %arg4[%dma_start3A_217, %add3A_211, %dma_start3A_218, %dma_start3A_219] : memref<8x128x8x128xf32, #tpu.memory_space<hbm>> -> memref<8x1x8x128xf32, #tpu.memory_space<hbm>>
    %dma_start3A_221 = arith.constant 0 : i32
    %dma_start3A_222 = arith.constant 0 : i32
    %dma_start3A_223 = arith.constant 0 : i32
    %dma_start3A_224 = tpu.memref_slice %arg4[%dma_start3A_221, %add3A_211, %dma_start3A_222, %dma_start3A_223] : memref<8x128x8x128xf32, #tpu.memory_space<hbm>> -> memref<8x1x8x128xf32, #tpu.memory_space<hbm>>
    %dma_start3A_225 = arith.constant 0 : i32
    %dma_start3A_226 = arith.constant 0 : i32
    %dma_start3A_227 = arith.constant 0 : i32
    %dma_start3A_228 = arith.constant 0 : i32
    %dma_start3A_229 = tpu.memref_slice %arg7[%dma_start3A_225, %dma_start3A_226, %dma_start3A_227, %dma_start3A_228] : memref<8x4x8x128xf32, #tpu.memory_space<vmem>> -> memref<8x1x8x128xf32, #tpu.memory_space<vmem>>
    tpu.enqueue_dma source(%dma_start3A_229 : memref<8x1x8x128xf32, #tpu.memory_space<vmem>>) target(%dma_start3A_224 : memref<8x1x8x128xf32, #tpu.memory_space<hbm>>) target_semaphore(%arg9 : memref<!tpu.dma_semaphore, #tpu.memory_space<semaphore_mem>>)
    %dma_wait3A_230 = arith.constant 128 : i32
    %dma_wait3A_231 = arith.constant 0 : i32
    %dma_wait3A_232 = tpu.memref_slice %arg6[%dma_wait3A_230, %dma_wait3A_231] : memref<512x64xf32, #tpu.memory_space<vmem>> -> memref<128x64xf32, #tpu.memory_space<vmem>>
    %dma_wait3A_233 = arith.constant 128 : i32
    %dma_wait3A_234 = tpu.memref_slice %arg5[%dma_wait3A_233] : memref<512xi32, #tpu.memory_space<vmem>> -> memref<128xi32, #tpu.memory_space<vmem>>
    %dma_wait3A_235 = arith.constant 0 : i32
    %dma_wait3A_236 = arith.constant 0 : i32
    %dma_wait3A_237 = tpu.memref_slice %arg3[%dma_wait3A_235, %dma_wait3A_236] : memref<1000x64xf32, #tpu.memory_space<hbm>> -> memref<1000x64xf32, #tpu.memory_space<hbm>>
    tpu.wait_indirect_dma semaphore(%arg8 : memref<!tpu.dma_semaphore, #tpu.memory_space<semaphore_mem>>) src(%dma_wait3A_237 : memref<1000x64xf32, #tpu.memory_space<hbm>>) dst(%dma_wait3A_232 : memref<128x64xf32, #tpu.memory_space<vmem>>)
    %broadcast_in_dim3A_238 = arith.constant 0 : i32
    %broadcast_in_dim3A_239 = vector.broadcast %broadcast_in_dim3A_238 : i32 to vector<16xi32>
    %add3A_240 = arith.constant 1 : i32
    %add3A_241 = vector.broadcast %add3A_240 : i32 to vector<16xi32>
    %add3A_242 = arith.addi %broadcast_in_dim3A_239, %add3A_241 : vector<16xi32>
    %parallel_loop3A_243 = arith.constant 0 : i32
    %parallel_loop3A_244 = arith.constant 128 : i32
    %parallel_loop3A_245 = arith.constant 1 : i32
    scf.for %parallel_loop3A_416 = %parallel_loop3A_243 to %parallel_loop3A_244 step %parallel_loop3A_245  : i32 {
      %parallel_loop3A_417 = arith.constant 4 : i64
      %parallel_loop3A_418 = arith.trunci %parallel_loop3A_417 : i64 to i32
      %parallel_loop3A_419 = arith.divsi %parallel_loop3A_416, %parallel_loop3A_418 : i32
      %parallel_loop3A_420 = arith.constant 0 : i32
      %parallel_loop3A_421 = arith.cmpi sgt, %parallel_loop3A_416, %parallel_loop3A_420 : i32
      %parallel_loop3A_422 = arith.extui %parallel_loop3A_421 : i1 to i32
      %parallel_loop3A_423 = arith.constant 0 : i32
      %parallel_loop3A_424 = arith.cmpi slt, %parallel_loop3A_416, %parallel_loop3A_423 : i32
      %parallel_loop3A_425 = arith.extui %parallel_loop3A_424 : i1 to i32
      %parallel_loop3A_426 = arith.subi %parallel_loop3A_422, %parallel_loop3A_425 : i32
      %parallel_loop3A_427 = arith.constant 0 : i32
      %parallel_loop3A_428 = arith.cmpi sgt, %parallel_loop3A_418, %parallel_loop3A_427 : i32
      %parallel_loop3A_429 = arith.extui %parallel_loop3A_428 : i1 to i32
      %parallel_loop3A_430 = arith.constant 0 : i32
      %parallel_loop3A_431 = arith.cmpi slt, %parallel_loop3A_418, %parallel_loop3A_430 : i32
      %parallel_loop3A_432 = arith.extui %parallel_loop3A_431 : i1 to i32
      %parallel_loop3A_433 = arith.subi %parallel_loop3A_429, %parallel_loop3A_432 : i32
      %parallel_loop3A_434 = arith.cmpi ne, %parallel_loop3A_426, %parallel_loop3A_433 : i32
      %parallel_loop3A_435 = arith.remsi %parallel_loop3A_416, %parallel_loop3A_418 : i32
      %parallel_loop3A_436 = arith.constant 0 : i32
      %parallel_loop3A_437 = arith.cmpi ne, %parallel_loop3A_435, %parallel_loop3A_436 : i32
      %parallel_loop3A_438 = arith.andi %parallel_loop3A_434, %parallel_loop3A_437 : i1
      %parallel_loop3A_439 = arith.constant 1 : i32
      %parallel_loop3A_440 = arith.subi %parallel_loop3A_419, %parallel_loop3A_439 : i32
      %parallel_loop3A_441 = arith.select %parallel_loop3A_438, %parallel_loop3A_440, %parallel_loop3A_419 : i32
      %parallel_loop3A_442 = arith.constant 8 : i64
      %parallel_loop3A_443 = arith.trunci %parallel_loop3A_442 : i64 to i32
      %parallel_loop3A_444 = arith.divsi %parallel_loop3A_441, %parallel_loop3A_443 : i32
      %parallel_loop3A_445 = arith.constant 0 : i32
      %parallel_loop3A_446 = arith.cmpi sgt, %parallel_loop3A_441, %parallel_loop3A_445 : i32
      %parallel_loop3A_447 = arith.extui %parallel_loop3A_446 : i1 to i32
      %parallel_loop3A_448 = arith.constant 0 : i32
      %parallel_loop3A_449 = arith.cmpi slt, %parallel_loop3A_441, %parallel_loop3A_448 : i32
      %parallel_loop3A_450 = arith.extui %parallel_loop3A_449 : i1 to i32
      %parallel_loop3A_451 = arith.subi %parallel_loop3A_447, %parallel_loop3A_450 : i32
      %parallel_loop3A_452 = arith.constant 0 : i32
      %parallel_loop3A_453 = arith.cmpi sgt, %parallel_loop3A_443, %parallel_loop3A_452 : i32
      %parallel_loop3A_454 = arith.extui %parallel_loop3A_453 : i1 to i32
      %parallel_loop3A_455 = arith.constant 0 : i32
      %parallel_loop3A_456 = arith.cmpi slt, %parallel_loop3A_443, %parallel_loop3A_455 : i32
      %parallel_loop3A_457 = arith.extui %parallel_loop3A_456 : i1 to i32
      %parallel_loop3A_458 = arith.subi %parallel_loop3A_454, %parallel_loop3A_457 : i32
      %parallel_loop3A_459 = arith.cmpi ne, %parallel_loop3A_451, %parallel_loop3A_458 : i32
      %parallel_loop3A_460 = arith.remsi %parallel_loop3A_441, %parallel_loop3A_443 : i32
      %parallel_loop3A_461 = arith.constant 0 : i32
      %parallel_loop3A_462 = arith.cmpi ne, %parallel_loop3A_460, %parallel_loop3A_461 : i32
      %parallel_loop3A_463 = arith.andi %parallel_loop3A_459, %parallel_loop3A_462 : i1
      %parallel_loop3A_464 = arith.constant 1 : i32
      %parallel_loop3A_465 = arith.subi %parallel_loop3A_444, %parallel_loop3A_464 : i32
      %parallel_loop3A_466 = arith.select %parallel_loop3A_463, %parallel_loop3A_465, %parallel_loop3A_444 : i32
      %parallel_loop3A_467 = arith.constant 8 : i64
      %parallel_loop3A_468 = arith.trunci %parallel_loop3A_467 : i64 to i32
      %parallel_loop3A_469 = arith.constant 0 : i32
      %parallel_loop3A_470 = arith.cmpi eq, %parallel_loop3A_468, %parallel_loop3A_469 : i32
      %parallel_loop3A_471 = arith.constant 1 : i32
      %parallel_loop3A_472 = arith.select %parallel_loop3A_470, %parallel_loop3A_471, %parallel_loop3A_468 : i32
      %parallel_loop3A_473 = arith.remsi %parallel_loop3A_441, %parallel_loop3A_472 : i32
      %parallel_loop3A_474 = arith.constant 0 : i32
      %parallel_loop3A_475 = arith.cmpi ne, %parallel_loop3A_473, %parallel_loop3A_474 : i32
      %parallel_loop3A_476 = arith.constant 0 : i32
      %parallel_loop3A_477 = arith.cmpi slt, %parallel_loop3A_473, %parallel_loop3A_476 : i32
      %parallel_loop3A_478 = arith.constant 0 : i32
      %parallel_loop3A_479 = arith.cmpi slt, %parallel_loop3A_472, %parallel_loop3A_478 : i32
      %parallel_loop3A_480 = arith.xori %parallel_loop3A_477, %parallel_loop3A_479 : i1
      %parallel_loop3A_481 = arith.andi %parallel_loop3A_480, %parallel_loop3A_475 : i1
      %parallel_loop3A_482 = arith.addi %parallel_loop3A_473, %parallel_loop3A_472 : i32
      %parallel_loop3A_483 = arith.select %parallel_loop3A_481, %parallel_loop3A_482, %parallel_loop3A_473 : i32
      %parallel_loop3A_484 = arith.constant 0 : i32
      %parallel_loop3A_485 = vector.broadcast %parallel_loop3A_484 : i32 to vector<16xi32>
      %parallel_loop3A_486 = vector.broadcast %parallel_loop3A_441 : i32 to vector<16xi32>
      %parallel_loop3A_487 = arith.addi %parallel_loop3A_485, %parallel_loop3A_486 : vector<16xi32>
      %parallel_loop3A_488 = arith.constant 4 : i64
      %parallel_loop3A_489 = arith.trunci %parallel_loop3A_488 : i64 to i32
      %parallel_loop3A_490 = arith.constant 0 : i32
      %parallel_loop3A_491 = arith.cmpi eq, %parallel_loop3A_489, %parallel_loop3A_490 : i32
      %parallel_loop3A_492 = arith.constant 1 : i32
      %parallel_loop3A_493 = arith.select %parallel_loop3A_491, %parallel_loop3A_492, %parallel_loop3A_489 : i32
      %parallel_loop3A_494 = arith.remsi %parallel_loop3A_416, %parallel_loop3A_493 : i32
      %parallel_loop3A_495 = arith.constant 0 : i32
      %parallel_loop3A_496 = arith.cmpi ne, %parallel_loop3A_494, %parallel_loop3A_495 : i32
      %parallel_loop3A_497 = arith.constant 0 : i32
      %parallel_loop3A_498 = arith.cmpi slt, %parallel_loop3A_494, %parallel_loop3A_497 : i32
      %parallel_loop3A_499 = arith.constant 0 : i32
      %parallel_loop3A_500 = arith.cmpi slt, %parallel_loop3A_493, %parallel_loop3A_499 : i32
      %parallel_loop3A_501 = arith.xori %parallel_loop3A_498, %parallel_loop3A_500 : i1
      %parallel_loop3A_502 = arith.andi %parallel_loop3A_501, %parallel_loop3A_496 : i1
      %parallel_loop3A_503 = arith.addi %parallel_loop3A_494, %parallel_loop3A_493 : i32
      %parallel_loop3A_504 = arith.select %parallel_loop3A_502, %parallel_loop3A_503, %parallel_loop3A_494 : i32
      %parallel_loop3A_505 = arith.constant 2 : i32
      %parallel_loop3A_506 = arith.muli %parallel_loop3A_504, %parallel_loop3A_505 : i32
      %parallel_loop3A_507 = arith.constant 0 : i32
      %parallel_loop3A_508 = arith.addi %parallel_loop3A_506, %parallel_loop3A_507 : i32
      %parallel_loop3A_509 = arith.constant 128 : i32
      %parallel_loop3A_510 = vector.broadcast %parallel_loop3A_509 : i32 to vector<16xi32>
      %parallel_loop3A_511 = arith.addi %iota3A, %parallel_loop3A_510 : vector<16xi32>
      %parallel_loop3A_512 = arith.constant 16 : i32
      %parallel_loop3A_513 = arith.muli %parallel_loop3A_508, %parallel_loop3A_512 : i32
      %parallel_loop3A_514 = vector.broadcast %parallel_loop3A_513 : i32 to vector<16xi32>
      %parallel_loop3A_515 = arith.addi %parallel_loop3A_511, %parallel_loop3A_514 : vector<16xi32>
      %parallel_loop3A_516 = tpu.vector_load_idx %arg6[%parallel_loop3A_515, %parallel_loop3A_487] : memref<512x64xf32, #tpu.memory_space<vmem>>[vector<16xi32>, vector<16xi32>], vector<16xf32>,
      %parallel_loop3A_517 = arith.constant 16 : i32
      %parallel_loop3A_518 = arith.muli %parallel_loop3A_508, %parallel_loop3A_517 : i32
      %parallel_loop3A_519 = arith.constant 1 : i32
      %parallel_loop3A_520 = arith.index_cast %parallel_loop3A_466 : i32 to index
      %parallel_loop3A_521 = arith.index_cast %parallel_loop3A_519 : i32 to index
      %parallel_loop3A_522 = arith.index_cast %parallel_loop3A_483 : i32 to index
      %parallel_loop3A_523 = arith.index_cast %parallel_loop3A_518 : i32 to index
      %parallel_loop3A_524 = tpu.vector_load %arg7[%parallel_loop3A_520, %parallel_loop3A_521, %parallel_loop3A_522, %parallel_loop3A_523] {strides = array<i32>} : memref<8x4x8x128xf32, #tpu.memory_space<vmem>>, vector<16xf32>,
      tpu.vector_store %arg7[%parallel_loop3A_520, %parallel_loop3A_521, %parallel_loop3A_522, %parallel_loop3A_523], %parallel_loop3A_516 {strides = array<i32>} : memref<8x4x8x128xf32, #tpu.memory_space<vmem>>, vector<16xf32>,
      %parallel_loop3A_525 = arith.constant 4 : i64
      %parallel_loop3A_526 = arith.trunci %parallel_loop3A_525 : i64 to i32
      %parallel_loop3A_527 = arith.constant 0 : i32
      %parallel_loop3A_528 = arith.cmpi eq, %parallel_loop3A_526, %parallel_loop3A_527 : i32
      %parallel_loop3A_529 = arith.constant 1 : i32
      %parallel_loop3A_530 = arith.select %parallel_loop3A_528, %parallel_loop3A_529, %parallel_loop3A_526 : i32
      %parallel_loop3A_531 = arith.remsi %parallel_loop3A_416, %parallel_loop3A_530 : i32
      %parallel_loop3A_532 = arith.constant 0 : i32
      %parallel_loop3A_533 = arith.cmpi ne, %parallel_loop3A_531, %parallel_loop3A_532 : i32
      %parallel_loop3A_534 = arith.constant 0 : i32
      %parallel_loop3A_535 = arith.cmpi slt, %parallel_loop3A_531, %parallel_loop3A_534 : i32
      %parallel_loop3A_536 = arith.constant 0 : i32
      %parallel_loop3A_537 = arith.cmpi slt, %parallel_loop3A_530, %parallel_loop3A_536 : i32
      %parallel_loop3A_538 = arith.xori %parallel_loop3A_535, %parallel_loop3A_537 : i1
      %parallel_loop3A_539 = arith.andi %parallel_loop3A_538, %parallel_loop3A_533 : i1
      %parallel_loop3A_540 = arith.addi %parallel_loop3A_531, %parallel_loop3A_530 : i32
      %parallel_loop3A_541 = arith.select %parallel_loop3A_539, %parallel_loop3A_540, %parallel_loop3A_531 : i32
      %parallel_loop3A_542 = arith.constant 2 : i32
      %parallel_loop3A_543 = arith.muli %parallel_loop3A_541, %parallel_loop3A_542 : i32
      %parallel_loop3A_544 = arith.constant 1 : i32
      %parallel_loop3A_545 = arith.addi %parallel_loop3A_543, %parallel_loop3A_544 : i32
      %parallel_loop3A_546 = arith.constant 128 : i32
      %parallel_loop3A_547 = vector.broadcast %parallel_loop3A_546 : i32 to vector<16xi32>
      %parallel_loop3A_548 = arith.addi %iota3A, %parallel_loop3A_547 : vector<16xi32>
      %parallel_loop3A_549 = arith.constant 16 : i32
      %parallel_loop3A_550 = arith.muli %parallel_loop3A_545, %parallel_loop3A_549 : i32
      %parallel_loop3A_551 = vector.broadcast %parallel_loop3A_550 : i32 to vector<16xi32>
      %parallel_loop3A_552 = arith.addi %parallel_loop3A_548, %parallel_loop3A_551 : vector<16xi32>
      %parallel_loop3A_553 = tpu.vector_load_idx %arg6[%parallel_loop3A_552, %parallel_loop3A_487] : memref<512x64xf32, #tpu.memory_space<vmem>>[vector<16xi32>, vector<16xi32>], vector<16xf32>,
      %parallel_loop3A_554 = arith.constant 16 : i32
      %parallel_loop3A_555 = arith.muli %parallel_loop3A_545, %parallel_loop3A_554 : i32
      %parallel_loop3A_556 = arith.constant 1 : i32
      %parallel_loop3A_557 = arith.index_cast %parallel_loop3A_466 : i32 to index
      %parallel_loop3A_558 = arith.index_cast %parallel_loop3A_556 : i32 to index
      %parallel_loop3A_559 = arith.index_cast %parallel_loop3A_483 : i32 to index
      %parallel_loop3A_560 = arith.index_cast %parallel_loop3A_555 : i32 to index
      %parallel_loop3A_561 = tpu.vector_load %arg7[%parallel_loop3A_557, %parallel_loop3A_558, %parallel_loop3A_559, %parallel_loop3A_560] {strides = array<i32>} : memref<8x4x8x128xf32, #tpu.memory_space<vmem>>, vector<16xf32>,
      tpu.vector_store %arg7[%parallel_loop3A_557, %parallel_loop3A_558, %parallel_loop3A_559, %parallel_loop3A_560], %parallel_loop3A_553 {strides = array<i32>} : memref<8x4x8x128xf32, #tpu.memory_space<vmem>>, vector<16xf32>,
      %parallel_loop3A_562 = arith.constant 0 : i32
      %parallel_loop3A_563 = vector.broadcast %parallel_loop3A_562 : i32 to vector<16xi32>
      %parallel_loop3A_564 = vector.broadcast %parallel_loop3A_416 : i32 to vector<16xi32>
      %parallel_loop3A_565 = arith.addi %parallel_loop3A_563, %parallel_loop3A_564 : vector<16xi32>
      %parallel_loop3A_566 = arith.constant 128 : i32
      %parallel_loop3A_567 = arith.addi %parallel_loop3A_416, %parallel_loop3A_566 : i32
      %parallel_loop3A_568 = arith.index_cast %parallel_loop3A_567 : i32 to index
      %parallel_loop3A_569 = arith.constant 32 : index
      %parallel_loop3A_570 = tpu.vector_load %arg6[%parallel_loop3A_568, %parallel_loop3A_569] {strides = array<i32>} : memref<512x64xf32, #tpu.memory_space<vmem>>, vector<16xf32>,
      tpu.vector_store_idx %arg7[%select_n3A, %add3A_242, %select_n3A_170, %parallel_loop3A_565], %parallel_loop3A_570 : memref<8x4x8x128xf32, #tpu.memory_space<vmem>>[vector<16xi32>, vector<16xi32>, vector<16xi32>, vector<16xi32>], vector<16xf32>,
      %parallel_loop3A_571 = arith.constant 128 : i32
      %parallel_loop3A_572 = arith.addi %parallel_loop3A_416, %parallel_loop3A_571 : i32
      %parallel_loop3A_573 = arith.index_cast %parallel_loop3A_572 : i32 to index
      %parallel_loop3A_574 = arith.constant 48 : index
      %parallel_loop3A_575 = tpu.vector_load %arg6[%parallel_loop3A_573, %parallel_loop3A_574] {strides = array<i32>} : memref<512x64xf32, #tpu.memory_space<vmem>>, vector<16xf32>,
      tpu.vector_store_idx %arg7[%select_n3A_149, %add3A_242, %select_n3A_193, %parallel_loop3A_565], %parallel_loop3A_575 : memref<8x4x8x128xf32, #tpu.memory_space<vmem>>[vector<16xi32>, vector<16xi32>, vector<16xi32>, vector<16xi32>], vector<16xf32>,
    } {sc.loop_unroll_factor = 4 : i64, sc.parallel_access}
    %mul3A_246 = arith.constant 4 : i32
    %mul3A_247 = arith.muli %add3A, %mul3A_246 : i32
    %add3A_248 = arith.constant 1 : i32
    %add3A_249 = arith.addi %mul3A_247, %add3A_248 : i32
    %dma_start3A_250 = arith.constant 0 : i32
    %dma_start3A_251 = arith.constant 1 : i32
    %dma_start3A_252 = arith.constant 0 : i32
    %dma_start3A_253 = arith.constant 0 : i32
    %dma_start3A_254 = tpu.memref_slice %arg7[%dma_start3A_250, %dma_start3A_251, %dma_start3A_252, %dma_start3A_253] : memref<8x4x8x128xf32, #tpu.memory_space<vmem>> -> memref<8x1x8x128xf32, #tpu.memory_space<vmem>>
    %dma_start3A_255 = arith.constant 0 : i32
    %dma_start3A_256 = arith.constant 0 : i32
    %dma_start3A_257 = arith.constant 0 : i32
    %dma_start3A_258 = tpu.memref_slice %arg4[%dma_start3A_255, %add3A_249, %dma_start3A_256, %dma_start3A_257] : memref<8x128x8x128xf32, #tpu.memory_space<hbm>> -> memref<8x1x8x128xf32, #tpu.memory_space<hbm>>
    %dma_start3A_259 = arith.constant 0 : i32
    %dma_start3A_260 = arith.constant 0 : i32
    %dma_start3A_261 = arith.constant 0 : i32
    %dma_start3A_262 = tpu.memref_slice %arg4[%dma_start3A_259, %add3A_249, %dma_start3A_260, %dma_start3A_261] : memref<8x128x8x128xf32, #tpu.memory_space<hbm>> -> memref<8x1x8x128xf32, #tpu.memory_space<hbm>>
    %dma_start3A_263 = arith.constant 0 : i32
    %dma_start3A_264 = arith.constant 1 : i32
    %dma_start3A_265 = arith.constant 0 : i32
    %dma_start3A_266 = arith.constant 0 : i32
    %dma_start3A_267 = tpu.memref_slice %arg7[%dma_start3A_263, %dma_start3A_264, %dma_start3A_265, %dma_start3A_266] : memref<8x4x8x128xf32, #tpu.memory_space<vmem>> -> memref<8x1x8x128xf32, #tpu.memory_space<vmem>>
    tpu.enqueue_dma source(%dma_start3A_267 : memref<8x1x8x128xf32, #tpu.memory_space<vmem>>) target(%dma_start3A_262 : memref<8x1x8x128xf32, #tpu.memory_space<hbm>>) target_semaphore(%arg9 : memref<!tpu.dma_semaphore, #tpu.memory_space<semaphore_mem>>)
    %dma_wait3A_268 = arith.constant 256 : i32
    %dma_wait3A_269 = arith.constant 0 : i32
    %dma_wait3A_270 = tpu.memref_slice %arg6[%dma_wait3A_268, %dma_wait3A_269] : memref<512x64xf32, #tpu.memory_space<vmem>> -> memref<128x64xf32, #tpu.memory_space<vmem>>
    %dma_wait3A_271 = arith.constant 256 : i32
    %dma_wait3A_272 = tpu.memref_slice %arg5[%dma_wait3A_271] : memref<512xi32, #tpu.memory_space<vmem>> -> memref<128xi32, #tpu.memory_space<vmem>>
    %dma_wait3A_273 = arith.constant 0 : i32
    %dma_wait3A_274 = arith.constant 0 : i32
    %dma_wait3A_275 = tpu.memref_slice %arg3[%dma_wait3A_273, %dma_wait3A_274] : memref<1000x64xf32, #tpu.memory_space<hbm>> -> memref<1000x64xf32, #tpu.memory_space<hbm>>
    tpu.wait_indirect_dma semaphore(%arg8 : memref<!tpu.dma_semaphore, #tpu.memory_space<semaphore_mem>>) src(%dma_wait3A_275 : memref<1000x64xf32, #tpu.memory_space<hbm>>) dst(%dma_wait3A_270 : memref<128x64xf32, #tpu.memory_space<vmem>>)
    %broadcast_in_dim3A_276 = arith.constant 0 : i32
    %broadcast_in_dim3A_277 = vector.broadcast %broadcast_in_dim3A_276 : i32 to vector<16xi32>
    %add3A_278 = arith.constant 2 : i32
    %add3A_279 = vector.broadcast %add3A_278 : i32 to vector<16xi32>
    %add3A_280 = arith.addi %broadcast_in_dim3A_277, %add3A_279 : vector<16xi32>
    %parallel_loop3A_281 = arith.constant 0 : i32
    %parallel_loop3A_282 = arith.constant 128 : i32
    %parallel_loop3A_283 = arith.constant 1 : i32
    scf.for %parallel_loop3A_416 = %parallel_loop3A_281 to %parallel_loop3A_282 step %parallel_loop3A_283  : i32 {
      %parallel_loop3A_417 = arith.constant 4 : i64
      %parallel_loop3A_418 = arith.trunci %parallel_loop3A_417 : i64 to i32
      %parallel_loop3A_419 = arith.divsi %parallel_loop3A_416, %parallel_loop3A_418 : i32
      %parallel_loop3A_420 = arith.constant 0 : i32
      %parallel_loop3A_421 = arith.cmpi sgt, %parallel_loop3A_416, %parallel_loop3A_420 : i32
      %parallel_loop3A_422 = arith.extui %parallel_loop3A_421 : i1 to i32
      %parallel_loop3A_423 = arith.constant 0 : i32
      %parallel_loop3A_424 = arith.cmpi slt, %parallel_loop3A_416, %parallel_loop3A_423 : i32
      %parallel_loop3A_425 = arith.extui %parallel_loop3A_424 : i1 to i32
      %parallel_loop3A_426 = arith.subi %parallel_loop3A_422, %parallel_loop3A_425 : i32
      %parallel_loop3A_427 = arith.constant 0 : i32
      %parallel_loop3A_428 = arith.cmpi sgt, %parallel_loop3A_418, %parallel_loop3A_427 : i32
      %parallel_loop3A_429 = arith.extui %parallel_loop3A_428 : i1 to i32
      %parallel_loop3A_430 = arith.constant 0 : i32
      %parallel_loop3A_431 = arith.cmpi slt, %parallel_loop3A_418, %parallel_loop3A_430 : i32
      %parallel_loop3A_432 = arith.extui %parallel_loop3A_431 : i1 to i32
      %parallel_loop3A_433 = arith.subi %parallel_loop3A_429, %parallel_loop3A_432 : i32
      %parallel_loop3A_434 = arith.cmpi ne, %parallel_loop3A_426, %parallel_loop3A_433 : i32
      %parallel_loop3A_435 = arith.remsi %parallel_loop3A_416, %parallel_loop3A_418 : i32
      %parallel_loop3A_436 = arith.constant 0 : i32
      %parallel_loop3A_437 = arith.cmpi ne, %parallel_loop3A_435, %parallel_loop3A_436 : i32
      %parallel_loop3A_438 = arith.andi %parallel_loop3A_434, %parallel_loop3A_437 : i1
      %parallel_loop3A_439 = arith.constant 1 : i32
      %parallel_loop3A_440 = arith.subi %parallel_loop3A_419, %parallel_loop3A_439 : i32
      %parallel_loop3A_441 = arith.select %parallel_loop3A_438, %parallel_loop3A_440, %parallel_loop3A_419 : i32
      %parallel_loop3A_442 = arith.constant 8 : i64
      %parallel_loop3A_443 = arith.trunci %parallel_loop3A_442 : i64 to i32
      %parallel_loop3A_444 = arith.divsi %parallel_loop3A_441, %parallel_loop3A_443 : i32
      %parallel_loop3A_445 = arith.constant 0 : i32
      %parallel_loop3A_446 = arith.cmpi sgt, %parallel_loop3A_441, %parallel_loop3A_445 : i32
      %parallel_loop3A_447 = arith.extui %parallel_loop3A_446 : i1 to i32
      %parallel_loop3A_448 = arith.constant 0 : i32
      %parallel_loop3A_449 = arith.cmpi slt, %parallel_loop3A_441, %parallel_loop3A_448 : i32
      %parallel_loop3A_450 = arith.extui %parallel_loop3A_449 : i1 to i32
      %parallel_loop3A_451 = arith.subi %parallel_loop3A_447, %parallel_loop3A_450 : i32
      %parallel_loop3A_452 = arith.constant 0 : i32
      %parallel_loop3A_453 = arith.cmpi sgt, %parallel_loop3A_443, %parallel_loop3A_452 : i32
      %parallel_loop3A_454 = arith.extui %parallel_loop3A_453 : i1 to i32
      %parallel_loop3A_455 = arith.constant 0 : i32
      %parallel_loop3A_456 = arith.cmpi slt, %parallel_loop3A_443, %parallel_loop3A_455 : i32
      %parallel_loop3A_457 = arith.extui %parallel_loop3A_456 : i1 to i32
      %parallel_loop3A_458 = arith.subi %parallel_loop3A_454, %parallel_loop3A_457 : i32
      %parallel_loop3A_459 = arith.cmpi ne, %parallel_loop3A_451, %parallel_loop3A_458 : i32
      %parallel_loop3A_460 = arith.remsi %parallel_loop3A_441, %parallel_loop3A_443 : i32
      %parallel_loop3A_461 = arith.constant 0 : i32
      %parallel_loop3A_462 = arith.cmpi ne, %parallel_loop3A_460, %parallel_loop3A_461 : i32
      %parallel_loop3A_463 = arith.andi %parallel_loop3A_459, %parallel_loop3A_462 : i1
      %parallel_loop3A_464 = arith.constant 1 : i32
      %parallel_loop3A_465 = arith.subi %parallel_loop3A_444, %parallel_loop3A_464 : i32
      %parallel_loop3A_466 = arith.select %parallel_loop3A_463, %parallel_loop3A_465, %parallel_loop3A_444 : i32
      %parallel_loop3A_467 = arith.constant 8 : i64
      %parallel_loop3A_468 = arith.trunci %parallel_loop3A_467 : i64 to i32
      %parallel_loop3A_469 = arith.constant 0 : i32
      %parallel_loop3A_470 = arith.cmpi eq, %parallel_loop3A_468, %parallel_loop3A_469 : i32
      %parallel_loop3A_471 = arith.constant 1 : i32
      %parallel_loop3A_472 = arith.select %parallel_loop3A_470, %parallel_loop3A_471, %parallel_loop3A_468 : i32
      %parallel_loop3A_473 = arith.remsi %parallel_loop3A_441, %parallel_loop3A_472 : i32
      %parallel_loop3A_474 = arith.constant 0 : i32
      %parallel_loop3A_475 = arith.cmpi ne, %parallel_loop3A_473, %parallel_loop3A_474 : i32
      %parallel_loop3A_476 = arith.constant 0 : i32
      %parallel_loop3A_477 = arith.cmpi slt, %parallel_loop3A_473, %parallel_loop3A_476 : i32
      %parallel_loop3A_478 = arith.constant 0 : i32
      %parallel_loop3A_479 = arith.cmpi slt, %parallel_loop3A_472, %parallel_loop3A_478 : i32
      %parallel_loop3A_480 = arith.xori %parallel_loop3A_477, %parallel_loop3A_479 : i1
      %parallel_loop3A_481 = arith.andi %parallel_loop3A_480, %parallel_loop3A_475 : i1
      %parallel_loop3A_482 = arith.addi %parallel_loop3A_473, %parallel_loop3A_472 : i32
      %parallel_loop3A_483 = arith.select %parallel_loop3A_481, %parallel_loop3A_482, %parallel_loop3A_473 : i32
      %parallel_loop3A_484 = arith.constant 0 : i32
      %parallel_loop3A_485 = vector.broadcast %parallel_loop3A_484 : i32 to vector<16xi32>
      %parallel_loop3A_486 = vector.broadcast %parallel_loop3A_441 : i32 to vector<16xi32>
      %parallel_loop3A_487 = arith.addi %parallel_loop3A_485, %parallel_loop3A_486 : vector<16xi32>
      %parallel_loop3A_488 = arith.constant 4 : i64
      %parallel_loop3A_489 = arith.trunci %parallel_loop3A_488 : i64 to i32
      %parallel_loop3A_490 = arith.constant 0 : i32
      %parallel_loop3A_491 = arith.cmpi eq, %parallel_loop3A_489, %parallel_loop3A_490 : i32
      %parallel_loop3A_492 = arith.constant 1 : i32
      %parallel_loop3A_493 = arith.select %parallel_loop3A_491, %parallel_loop3A_492, %parallel_loop3A_489 : i32
      %parallel_loop3A_494 = arith.remsi %parallel_loop3A_416, %parallel_loop3A_493 : i32
      %parallel_loop3A_495 = arith.constant 0 : i32
      %parallel_loop3A_496 = arith.cmpi ne, %parallel_loop3A_494, %parallel_loop3A_495 : i32
      %parallel_loop3A_497 = arith.constant 0 : i32
      %parallel_loop3A_498 = arith.cmpi slt, %parallel_loop3A_494, %parallel_loop3A_497 : i32
      %parallel_loop3A_499 = arith.constant 0 : i32
      %parallel_loop3A_500 = arith.cmpi slt, %parallel_loop3A_493, %parallel_loop3A_499 : i32
      %parallel_loop3A_501 = arith.xori %parallel_loop3A_498, %parallel_loop3A_500 : i1
      %parallel_loop3A_502 = arith.andi %parallel_loop3A_501, %parallel_loop3A_496 : i1
      %parallel_loop3A_503 = arith.addi %parallel_loop3A_494, %parallel_loop3A_493 : i32
      %parallel_loop3A_504 = arith.select %parallel_loop3A_502, %parallel_loop3A_503, %parallel_loop3A_494 : i32
      %parallel_loop3A_505 = arith.constant 2 : i32
      %parallel_loop3A_506 = arith.muli %parallel_loop3A_504, %parallel_loop3A_505 : i32
      %parallel_loop3A_507 = arith.constant 0 : i32
      %parallel_loop3A_508 = arith.addi %parallel_loop3A_506, %parallel_loop3A_507 : i32
      %parallel_loop3A_509 = arith.constant 256 : i32
      %parallel_loop3A_510 = vector.broadcast %parallel_loop3A_509 : i32 to vector<16xi32>
      %parallel_loop3A_511 = arith.addi %iota3A, %parallel_loop3A_510 : vector<16xi32>
      %parallel_loop3A_512 = arith.constant 16 : i32
      %parallel_loop3A_513 = arith.muli %parallel_loop3A_508, %parallel_loop3A_512 : i32
      %parallel_loop3A_514 = vector.broadcast %parallel_loop3A_513 : i32 to vector<16xi32>
      %parallel_loop3A_515 = arith.addi %parallel_loop3A_511, %parallel_loop3A_514 : vector<16xi32>
      %parallel_loop3A_516 = tpu.vector_load_idx %arg6[%parallel_loop3A_515, %parallel_loop3A_487] : memref<512x64xf32, #tpu.memory_space<vmem>>[vector<16xi32>, vector<16xi32>], vector<16xf32>,
      %parallel_loop3A_517 = arith.constant 16 : i32
      %parallel_loop3A_518 = arith.muli %parallel_loop3A_508, %parallel_loop3A_517 : i32
      %parallel_loop3A_519 = arith.constant 2 : i32
      %parallel_loop3A_520 = arith.index_cast %parallel_loop3A_466 : i32 to index
      %parallel_loop3A_521 = arith.index_cast %parallel_loop3A_519 : i32 to index
      %parallel_loop3A_522 = arith.index_cast %parallel_loop3A_483 : i32 to index
      %parallel_loop3A_523 = arith.index_cast %parallel_loop3A_518 : i32 to index
      %parallel_loop3A_524 = tpu.vector_load %arg7[%parallel_loop3A_520, %parallel_loop3A_521, %parallel_loop3A_522, %parallel_loop3A_523] {strides = array<i32>} : memref<8x4x8x128xf32, #tpu.memory_space<vmem>>, vector<16xf32>,
      tpu.vector_store %arg7[%parallel_loop3A_520, %parallel_loop3A_521, %parallel_loop3A_522, %parallel_loop3A_523], %parallel_loop3A_516 {strides = array<i32>} : memref<8x4x8x128xf32, #tpu.memory_space<vmem>>, vector<16xf32>,
      %parallel_loop3A_525 = arith.constant 4 : i64
      %parallel_loop3A_526 = arith.trunci %parallel_loop3A_525 : i64 to i32
      %parallel_loop3A_527 = arith.constant 0 : i32
      %parallel_loop3A_528 = arith.cmpi eq, %parallel_loop3A_526, %parallel_loop3A_527 : i32
      %parallel_loop3A_529 = arith.constant 1 : i32
      %parallel_loop3A_530 = arith.select %parallel_loop3A_528, %parallel_loop3A_529, %parallel_loop3A_526 : i32
      %parallel_loop3A_531 = arith.remsi %parallel_loop3A_416, %parallel_loop3A_530 : i32
      %parallel_loop3A_532 = arith.constant 0 : i32
      %parallel_loop3A_533 = arith.cmpi ne, %parallel_loop3A_531, %parallel_loop3A_532 : i32
      %parallel_loop3A_534 = arith.constant 0 : i32
      %parallel_loop3A_535 = arith.cmpi slt, %parallel_loop3A_531, %parallel_loop3A_534 : i32
      %parallel_loop3A_536 = arith.constant 0 : i32
      %parallel_loop3A_537 = arith.cmpi slt, %parallel_loop3A_530, %parallel_loop3A_536 : i32
      %parallel_loop3A_538 = arith.xori %parallel_loop3A_535, %parallel_loop3A_537 : i1
      %parallel_loop3A_539 = arith.andi %parallel_loop3A_538, %parallel_loop3A_533 : i1
      %parallel_loop3A_540 = arith.addi %parallel_loop3A_531, %parallel_loop3A_530 : i32
      %parallel_loop3A_541 = arith.select %parallel_loop3A_539, %parallel_loop3A_540, %parallel_loop3A_531 : i32
      %parallel_loop3A_542 = arith.constant 2 : i32
      %parallel_loop3A_543 = arith.muli %parallel_loop3A_541, %parallel_loop3A_542 : i32
      %parallel_loop3A_544 = arith.constant 1 : i32
      %parallel_loop3A_545 = arith.addi %parallel_loop3A_543, %parallel_loop3A_544 : i32
      %parallel_loop3A_546 = arith.constant 256 : i32
      %parallel_loop3A_547 = vector.broadcast %parallel_loop3A_546 : i32 to vector<16xi32>
      %parallel_loop3A_548 = arith.addi %iota3A, %parallel_loop3A_547 : vector<16xi32>
      %parallel_loop3A_549 = arith.constant 16 : i32
      %parallel_loop3A_550 = arith.muli %parallel_loop3A_545, %parallel_loop3A_549 : i32
      %parallel_loop3A_551 = vector.broadcast %parallel_loop3A_550 : i32 to vector<16xi32>
      %parallel_loop3A_552 = arith.addi %parallel_loop3A_548, %parallel_loop3A_551 : vector<16xi32>
      %parallel_loop3A_553 = tpu.vector_load_idx %arg6[%parallel_loop3A_552, %parallel_loop3A_487] : memref<512x64xf32, #tpu.memory_space<vmem>>[vector<16xi32>, vector<16xi32>], vector<16xf32>,
      %parallel_loop3A_554 = arith.constant 16 : i32
      %parallel_loop3A_555 = arith.muli %parallel_loop3A_545, %parallel_loop3A_554 : i32
      %parallel_loop3A_556 = arith.constant 2 : i32
      %parallel_loop3A_557 = arith.index_cast %parallel_loop3A_466 : i32 to index
      %parallel_loop3A_558 = arith.index_cast %parallel_loop3A_556 : i32 to index
      %parallel_loop3A_559 = arith.index_cast %parallel_loop3A_483 : i32 to index
      %parallel_loop3A_560 = arith.index_cast %parallel_loop3A_555 : i32 to index
      %parallel_loop3A_561 = tpu.vector_load %arg7[%parallel_loop3A_557, %parallel_loop3A_558, %parallel_loop3A_559, %parallel_loop3A_560] {strides = array<i32>} : memref<8x4x8x128xf32, #tpu.memory_space<vmem>>, vector<16xf32>,
      tpu.vector_store %arg7[%parallel_loop3A_557, %parallel_loop3A_558, %parallel_loop3A_559, %parallel_loop3A_560], %parallel_loop3A_553 {strides = array<i32>} : memref<8x4x8x128xf32, #tpu.memory_space<vmem>>, vector<16xf32>,
      %parallel_loop3A_562 = arith.constant 0 : i32
      %parallel_loop3A_563 = vector.broadcast %parallel_loop3A_562 : i32 to vector<16xi32>
      %parallel_loop3A_564 = vector.broadcast %parallel_loop3A_416 : i32 to vector<16xi32>
      %parallel_loop3A_565 = arith.addi %parallel_loop3A_563, %parallel_loop3A_564 : vector<16xi32>
      %parallel_loop3A_566 = arith.constant 256 : i32
      %parallel_loop3A_567 = arith.addi %parallel_loop3A_416, %parallel_loop3A_566 : i32
      %parallel_loop3A_568 = arith.index_cast %parallel_loop3A_567 : i32 to index
      %parallel_loop3A_569 = arith.constant 32 : index
      %parallel_loop3A_570 = tpu.vector_load %arg6[%parallel_loop3A_568, %parallel_loop3A_569] {strides = array<i32>} : memref<512x64xf32, #tpu.memory_space<vmem>>, vector<16xf32>,
      tpu.vector_store_idx %arg7[%select_n3A, %add3A_280, %select_n3A_170, %parallel_loop3A_565], %parallel_loop3A_570 : memref<8x4x8x128xf32, #tpu.memory_space<vmem>>[vector<16xi32>, vector<16xi32>, vector<16xi32>, vector<16xi32>], vector<16xf32>,
      %parallel_loop3A_571 = arith.constant 256 : i32
      %parallel_loop3A_572 = arith.addi %parallel_loop3A_416, %parallel_loop3A_571 : i32
      %parallel_loop3A_573 = arith.index_cast %parallel_loop3A_572 : i32 to index
      %parallel_loop3A_574 = arith.constant 48 : index
      %parallel_loop3A_575 = tpu.vector_load %arg6[%parallel_loop3A_573, %parallel_loop3A_574] {strides = array<i32>} : memref<512x64xf32, #tpu.memory_space<vmem>>, vector<16xf32>,
      tpu.vector_store_idx %arg7[%select_n3A_149, %add3A_280, %select_n3A_193, %parallel_loop3A_565], %parallel_loop3A_575 : memref<8x4x8x128xf32, #tpu.memory_space<vmem>>[vector<16xi32>, vector<16xi32>, vector<16xi32>, vector<16xi32>], vector<16xf32>,
    } {sc.loop_unroll_factor = 4 : i64, sc.parallel_access}
    %mul3A_284 = arith.constant 4 : i32
    %mul3A_285 = arith.muli %add3A, %mul3A_284 : i32
    %add3A_286 = arith.constant 2 : i32
    %add3A_287 = arith.addi %mul3A_285, %add3A_286 : i32
    %dma_start3A_288 = arith.constant 0 : i32
    %dma_start3A_289 = arith.constant 2 : i32
    %dma_start3A_290 = arith.constant 0 : i32
    %dma_start3A_291 = arith.constant 0 : i32
    %dma_start3A_292 = tpu.memref_slice %arg7[%dma_start3A_288, %dma_start3A_289, %dma_start3A_290, %dma_start3A_291] : memref<8x4x8x128xf32, #tpu.memory_space<vmem>> -> memref<8x1x8x128xf32, #tpu.memory_space<vmem>>
    %dma_start3A_293 = arith.constant 0 : i32
    %dma_start3A_294 = arith.constant 0 : i32
    %dma_start3A_295 = arith.constant 0 : i32
    %dma_start3A_296 = tpu.memref_slice %arg4[%dma_start3A_293, %add3A_287, %dma_start3A_294, %dma_start3A_295] : memref<8x128x8x128xf32, #tpu.memory_space<hbm>> -> memref<8x1x8x128xf32, #tpu.memory_space<hbm>>
    %dma_start3A_297 = arith.constant 0 : i32
    %dma_start3A_298 = arith.constant 0 : i32
    %dma_start3A_299 = arith.constant 0 : i32
    %dma_start3A_300 = tpu.memref_slice %arg4[%dma_start3A_297, %add3A_287, %dma_start3A_298, %dma_start3A_299] : memref<8x128x8x128xf32, #tpu.memory_space<hbm>> -> memref<8x1x8x128xf32, #tpu.memory_space<hbm>>
    %dma_start3A_301 = arith.constant 0 : i32
    %dma_start3A_302 = arith.constant 2 : i32
    %dma_start3A_303 = arith.constant 0 : i32
    %dma_start3A_304 = arith.constant 0 : i32
    %dma_start3A_305 = tpu.memref_slice %arg7[%dma_start3A_301, %dma_start3A_302, %dma_start3A_303, %dma_start3A_304] : memref<8x4x8x128xf32, #tpu.memory_space<vmem>> -> memref<8x1x8x128xf32, #tpu.memory_space<vmem>>
    tpu.enqueue_dma source(%dma_start3A_305 : memref<8x1x8x128xf32, #tpu.memory_space<vmem>>) target(%dma_start3A_300 : memref<8x1x8x128xf32, #tpu.memory_space<hbm>>) target_semaphore(%arg9 : memref<!tpu.dma_semaphore, #tpu.memory_space<semaphore_mem>>)
    %dma_wait3A_306 = arith.constant 384 : i32
    %dma_wait3A_307 = arith.constant 0 : i32
    %dma_wait3A_308 = tpu.memref_slice %arg6[%dma_wait3A_306, %dma_wait3A_307] : memref<512x64xf32, #tpu.memory_space<vmem>> -> memref<128x64xf32, #tpu.memory_space<vmem>>
    %dma_wait3A_309 = arith.constant 384 : i32
    %dma_wait3A_310 = tpu.memref_slice %arg5[%dma_wait3A_309] : memref<512xi32, #tpu.memory_space<vmem>> -> memref<128xi32, #tpu.memory_space<vmem>>
    %dma_wait3A_311 = arith.constant 0 : i32
    %dma_wait3A_312 = arith.constant 0 : i32
    %dma_wait3A_313 = tpu.memref_slice %arg3[%dma_wait3A_311, %dma_wait3A_312] : memref<1000x64xf32, #tpu.memory_space<hbm>> -> memref<1000x64xf32, #tpu.memory_space<hbm>>
    tpu.wait_indirect_dma semaphore(%arg8 : memref<!tpu.dma_semaphore, #tpu.memory_space<semaphore_mem>>) src(%dma_wait3A_313 : memref<1000x64xf32, #tpu.memory_space<hbm>>) dst(%dma_wait3A_308 : memref<128x64xf32, #tpu.memory_space<vmem>>)
    %broadcast_in_dim3A_314 = arith.constant 0 : i32
    %broadcast_in_dim3A_315 = vector.broadcast %broadcast_in_dim3A_314 : i32 to vector<16xi32>
    %add3A_316 = arith.constant 3 : i32
    %add3A_317 = vector.broadcast %add3A_316 : i32 to vector<16xi32>
    %add3A_318 = arith.addi %broadcast_in_dim3A_315, %add3A_317 : vector<16xi32>
    %parallel_loop3A_319 = arith.constant 0 : i32
    %parallel_loop3A_320 = arith.constant 128 : i32
    %parallel_loop3A_321 = arith.constant 1 : i32
    scf.for %parallel_loop3A_416 = %parallel_loop3A_319 to %parallel_loop3A_320 step %parallel_loop3A_321  : i32 {
      %parallel_loop3A_417 = arith.constant 4 : i64
      %parallel_loop3A_418 = arith.trunci %parallel_loop3A_417 : i64 to i32
      %parallel_loop3A_419 = arith.divsi %parallel_loop3A_416, %parallel_loop3A_418 : i32
      %parallel_loop3A_420 = arith.constant 0 : i32
      %parallel_loop3A_421 = arith.cmpi sgt, %parallel_loop3A_416, %parallel_loop3A_420 : i32
      %parallel_loop3A_422 = arith.extui %parallel_loop3A_421 : i1 to i32
      %parallel_loop3A_423 = arith.constant 0 : i32
      %parallel_loop3A_424 = arith.cmpi slt, %parallel_loop3A_416, %parallel_loop3A_423 : i32
      %parallel_loop3A_425 = arith.extui %parallel_loop3A_424 : i1 to i32
      %parallel_loop3A_426 = arith.subi %parallel_loop3A_422, %parallel_loop3A_425 : i32
      %parallel_loop3A_427 = arith.constant 0 : i32
      %parallel_loop3A_428 = arith.cmpi sgt, %parallel_loop3A_418, %parallel_loop3A_427 : i32
      %parallel_loop3A_429 = arith.extui %parallel_loop3A_428 : i1 to i32
      %parallel_loop3A_430 = arith.constant 0 : i32
      %parallel_loop3A_431 = arith.cmpi slt, %parallel_loop3A_418, %parallel_loop3A_430 : i32
      %parallel_loop3A_432 = arith.extui %parallel_loop3A_431 : i1 to i32
      %parallel_loop3A_433 = arith.subi %parallel_loop3A_429, %parallel_loop3A_432 : i32
      %parallel_loop3A_434 = arith.cmpi ne, %parallel_loop3A_426, %parallel_loop3A_433 : i32
      %parallel_loop3A_435 = arith.remsi %parallel_loop3A_416, %parallel_loop3A_418 : i32
      %parallel_loop3A_436 = arith.constant 0 : i32
      %parallel_loop3A_437 = arith.cmpi ne, %parallel_loop3A_435, %parallel_loop3A_436 : i32
      %parallel_loop3A_438 = arith.andi %parallel_loop3A_434, %parallel_loop3A_437 : i1
      %parallel_loop3A_439 = arith.constant 1 : i32
      %parallel_loop3A_440 = arith.subi %parallel_loop3A_419, %parallel_loop3A_439 : i32
      %parallel_loop3A_441 = arith.select %parallel_loop3A_438, %parallel_loop3A_440, %parallel_loop3A_419 : i32
      %parallel_loop3A_442 = arith.constant 8 : i64
      %parallel_loop3A_443 = arith.trunci %parallel_loop3A_442 : i64 to i32
      %parallel_loop3A_444 = arith.divsi %parallel_loop3A_441, %parallel_loop3A_443 : i32
      %parallel_loop3A_445 = arith.constant 0 : i32
      %parallel_loop3A_446 = arith.cmpi sgt, %parallel_loop3A_441, %parallel_loop3A_445 : i32
      %parallel_loop3A_447 = arith.extui %parallel_loop3A_446 : i1 to i32
      %parallel_loop3A_448 = arith.constant 0 : i32
      %parallel_loop3A_449 = arith.cmpi slt, %parallel_loop3A_441, %parallel_loop3A_448 : i32
      %parallel_loop3A_450 = arith.extui %parallel_loop3A_449 : i1 to i32
      %parallel_loop3A_451 = arith.subi %parallel_loop3A_447, %parallel_loop3A_450 : i32
      %parallel_loop3A_452 = arith.constant 0 : i32
      %parallel_loop3A_453 = arith.cmpi sgt, %parallel_loop3A_443, %parallel_loop3A_452 : i32
      %parallel_loop3A_454 = arith.extui %parallel_loop3A_453 : i1 to i32
      %parallel_loop3A_455 = arith.constant 0 : i32
      %parallel_loop3A_456 = arith.cmpi slt, %parallel_loop3A_443, %parallel_loop3A_455 : i32
      %parallel_loop3A_457 = arith.extui %parallel_loop3A_456 : i1 to i32
      %parallel_loop3A_458 = arith.subi %parallel_loop3A_454, %parallel_loop3A_457 : i32
      %parallel_loop3A_459 = arith.cmpi ne, %parallel_loop3A_451, %parallel_loop3A_458 : i32
      %parallel_loop3A_460 = arith.remsi %parallel_loop3A_441, %parallel_loop3A_443 : i32
      %parallel_loop3A_461 = arith.constant 0 : i32
      %parallel_loop3A_462 = arith.cmpi ne, %parallel_loop3A_460, %parallel_loop3A_461 : i32
      %parallel_loop3A_463 = arith.andi %parallel_loop3A_459, %parallel_loop3A_462 : i1
      %parallel_loop3A_464 = arith.constant 1 : i32
      %parallel_loop3A_465 = arith.subi %parallel_loop3A_444, %parallel_loop3A_464 : i32
      %parallel_loop3A_466 = arith.select %parallel_loop3A_463, %parallel_loop3A_465, %parallel_loop3A_444 : i32
      %parallel_loop3A_467 = arith.constant 8 : i64
      %parallel_loop3A_468 = arith.trunci %parallel_loop3A_467 : i64 to i32
      %parallel_loop3A_469 = arith.constant 0 : i32
      %parallel_loop3A_470 = arith.cmpi eq, %parallel_loop3A_468, %parallel_loop3A_469 : i32
      %parallel_loop3A_471 = arith.constant 1 : i32
      %parallel_loop3A_472 = arith.select %parallel_loop3A_470, %parallel_loop3A_471, %parallel_loop3A_468 : i32
      %parallel_loop3A_473 = arith.remsi %parallel_loop3A_441, %parallel_loop3A_472 : i32
      %parallel_loop3A_474 = arith.constant 0 : i32
      %parallel_loop3A_475 = arith.cmpi ne, %parallel_loop3A_473, %parallel_loop3A_474 : i32
      %parallel_loop3A_476 = arith.constant 0 : i32
      %parallel_loop3A_477 = arith.cmpi slt, %parallel_loop3A_473, %parallel_loop3A_476 : i32
      %parallel_loop3A_478 = arith.constant 0 : i32
      %parallel_loop3A_479 = arith.cmpi slt, %parallel_loop3A_472, %parallel_loop3A_478 : i32
      %parallel_loop3A_480 = arith.xori %parallel_loop3A_477, %parallel_loop3A_479 : i1
      %parallel_loop3A_481 = arith.andi %parallel_loop3A_480, %parallel_loop3A_475 : i1
      %parallel_loop3A_482 = arith.addi %parallel_loop3A_473, %parallel_loop3A_472 : i32
      %parallel_loop3A_483 = arith.select %parallel_loop3A_481, %parallel_loop3A_482, %parallel_loop3A_473 : i32
      %parallel_loop3A_484 = arith.constant 0 : i32
      %parallel_loop3A_485 = vector.broadcast %parallel_loop3A_484 : i32 to vector<16xi32>
      %parallel_loop3A_486 = vector.broadcast %parallel_loop3A_441 : i32 to vector<16xi32>
      %parallel_loop3A_487 = arith.addi %parallel_loop3A_485, %parallel_loop3A_486 : vector<16xi32>
      %parallel_loop3A_488 = arith.constant 4 : i64
      %parallel_loop3A_489 = arith.trunci %parallel_loop3A_488 : i64 to i32
      %parallel_loop3A_490 = arith.constant 0 : i32
      %parallel_loop3A_491 = arith.cmpi eq, %parallel_loop3A_489, %parallel_loop3A_490 : i32
      %parallel_loop3A_492 = arith.constant 1 : i32
      %parallel_loop3A_493 = arith.select %parallel_loop3A_491, %parallel_loop3A_492, %parallel_loop3A_489 : i32
      %parallel_loop3A_494 = arith.remsi %parallel_loop3A_416, %parallel_loop3A_493 : i32
      %parallel_loop3A_495 = arith.constant 0 : i32
      %parallel_loop3A_496 = arith.cmpi ne, %parallel_loop3A_494, %parallel_loop3A_495 : i32
      %parallel_loop3A_497 = arith.constant 0 : i32
      %parallel_loop3A_498 = arith.cmpi slt, %parallel_loop3A_494, %parallel_loop3A_497 : i32
      %parallel_loop3A_499 = arith.constant 0 : i32
      %parallel_loop3A_500 = arith.cmpi slt, %parallel_loop3A_493, %parallel_loop3A_499 : i32
      %parallel_loop3A_501 = arith.xori %parallel_loop3A_498, %parallel_loop3A_500 : i1
      %parallel_loop3A_502 = arith.andi %parallel_loop3A_501, %parallel_loop3A_496 : i1
      %parallel_loop3A_503 = arith.addi %parallel_loop3A_494, %parallel_loop3A_493 : i32
      %parallel_loop3A_504 = arith.select %parallel_loop3A_502, %parallel_loop3A_503, %parallel_loop3A_494 : i32
      %parallel_loop3A_505 = arith.constant 2 : i32
      %parallel_loop3A_506 = arith.muli %parallel_loop3A_504, %parallel_loop3A_505 : i32
      %parallel_loop3A_507 = arith.constant 0 : i32
      %parallel_loop3A_508 = arith.addi %parallel_loop3A_506, %parallel_loop3A_507 : i32
      %parallel_loop3A_509 = arith.constant 384 : i32
      %parallel_loop3A_510 = vector.broadcast %parallel_loop3A_509 : i32 to vector<16xi32>
      %parallel_loop3A_511 = arith.addi %iota3A, %parallel_loop3A_510 : vector<16xi32>
      %parallel_loop3A_512 = arith.constant 16 : i32
      %parallel_loop3A_513 = arith.muli %parallel_loop3A_508, %parallel_loop3A_512 : i32
      %parallel_loop3A_514 = vector.broadcast %parallel_loop3A_513 : i32 to vector<16xi32>
      %parallel_loop3A_515 = arith.addi %parallel_loop3A_511, %parallel_loop3A_514 : vector<16xi32>
      %parallel_loop3A_516 = tpu.vector_load_idx %arg6[%parallel_loop3A_515, %parallel_loop3A_487] : memref<512x64xf32, #tpu.memory_space<vmem>>[vector<16xi32>, vector<16xi32>], vector<16xf32>,
      %parallel_loop3A_517 = arith.constant 16 : i32
      %parallel_loop3A_518 = arith.muli %parallel_loop3A_508, %parallel_loop3A_517 : i32
      %parallel_loop3A_519 = arith.constant 3 : i32
      %parallel_loop3A_520 = arith.index_cast %parallel_loop3A_466 : i32 to index
      %parallel_loop3A_521 = arith.index_cast %parallel_loop3A_519 : i32 to index
      %parallel_loop3A_522 = arith.index_cast %parallel_loop3A_483 : i32 to index
      %parallel_loop3A_523 = arith.index_cast %parallel_loop3A_518 : i32 to index
      %parallel_loop3A_524 = tpu.vector_load %arg7[%parallel_loop3A_520, %parallel_loop3A_521, %parallel_loop3A_522, %parallel_loop3A_523] {strides = array<i32>} : memref<8x4x8x128xf32, #tpu.memory_space<vmem>>, vector<16xf32>,
      tpu.vector_store %arg7[%parallel_loop3A_520, %parallel_loop3A_521, %parallel_loop3A_522, %parallel_loop3A_523], %parallel_loop3A_516 {strides = array<i32>} : memref<8x4x8x128xf32, #tpu.memory_space<vmem>>, vector<16xf32>,
      %parallel_loop3A_525 = arith.constant 4 : i64
      %parallel_loop3A_526 = arith.trunci %parallel_loop3A_525 : i64 to i32
      %parallel_loop3A_527 = arith.constant 0 : i32
      %parallel_loop3A_528 = arith.cmpi eq, %parallel_loop3A_526, %parallel_loop3A_527 : i32
      %parallel_loop3A_529 = arith.constant 1 : i32
      %parallel_loop3A_530 = arith.select %parallel_loop3A_528, %parallel_loop3A_529, %parallel_loop3A_526 : i32
      %parallel_loop3A_531 = arith.remsi %parallel_loop3A_416, %parallel_loop3A_530 : i32
      %parallel_loop3A_532 = arith.constant 0 : i32
      %parallel_loop3A_533 = arith.cmpi ne, %parallel_loop3A_531, %parallel_loop3A_532 : i32
      %parallel_loop3A_534 = arith.constant 0 : i32
      %parallel_loop3A_535 = arith.cmpi slt, %parallel_loop3A_531, %parallel_loop3A_534 : i32
      %parallel_loop3A_536 = arith.constant 0 : i32
      %parallel_loop3A_537 = arith.cmpi slt, %parallel_loop3A_530, %parallel_loop3A_536 : i32
      %parallel_loop3A_538 = arith.xori %parallel_loop3A_535, %parallel_loop3A_537 : i1
      %parallel_loop3A_539 = arith.andi %parallel_loop3A_538, %parallel_loop3A_533 : i1
      %parallel_loop3A_540 = arith.addi %parallel_loop3A_531, %parallel_loop3A_530 : i32
      %parallel_loop3A_541 = arith.select %parallel_loop3A_539, %parallel_loop3A_540, %parallel_loop3A_531 : i32
      %parallel_loop3A_542 = arith.constant 2 : i32
      %parallel_loop3A_543 = arith.muli %parallel_loop3A_541, %parallel_loop3A_542 : i32
      %parallel_loop3A_544 = arith.constant 1 : i32
      %parallel_loop3A_545 = arith.addi %parallel_loop3A_543, %parallel_loop3A_544 : i32
      %parallel_loop3A_546 = arith.constant 384 : i32
      %parallel_loop3A_547 = vector.broadcast %parallel_loop3A_546 : i32 to vector<16xi32>
      %parallel_loop3A_548 = arith.addi %iota3A, %parallel_loop3A_547 : vector<16xi32>
      %parallel_loop3A_549 = arith.constant 16 : i32
      %parallel_loop3A_550 = arith.muli %parallel_loop3A_545, %parallel_loop3A_549 : i32
      %parallel_loop3A_551 = vector.broadcast %parallel_loop3A_550 : i32 to vector<16xi32>
      %parallel_loop3A_552 = arith.addi %parallel_loop3A_548, %parallel_loop3A_551 : vector<16xi32>
      %parallel_loop3A_553 = tpu.vector_load_idx %arg6[%parallel_loop3A_552, %parallel_loop3A_487] : memref<512x64xf32, #tpu.memory_space<vmem>>[vector<16xi32>, vector<16xi32>], vector<16xf32>,
      %parallel_loop3A_554 = arith.constant 16 : i32
      %parallel_loop3A_555 = arith.muli %parallel_loop3A_545, %parallel_loop3A_554 : i32
      %parallel_loop3A_556 = arith.constant 3 : i32
      %parallel_loop3A_557 = arith.index_cast %parallel_loop3A_466 : i32 to index
      %parallel_loop3A_558 = arith.index_cast %parallel_loop3A_556 : i32 to index
      %parallel_loop3A_559 = arith.index_cast %parallel_loop3A_483 : i32 to index
      %parallel_loop3A_560 = arith.index_cast %parallel_loop3A_555 : i32 to index
      %parallel_loop3A_561 = tpu.vector_load %arg7[%parallel_loop3A_557, %parallel_loop3A_558, %parallel_loop3A_559, %parallel_loop3A_560] {strides = array<i32>} : memref<8x4x8x128xf32, #tpu.memory_space<vmem>>, vector<16xf32>,
      tpu.vector_store %arg7[%parallel_loop3A_557, %parallel_loop3A_558, %parallel_loop3A_559, %parallel_loop3A_560], %parallel_loop3A_553 {strides = array<i32>} : memref<8x4x8x128xf32, #tpu.memory_space<vmem>>, vector<16xf32>,
      %parallel_loop3A_562 = arith.constant 0 : i32
      %parallel_loop3A_563 = vector.broadcast %parallel_loop3A_562 : i32 to vector<16xi32>
      %parallel_loop3A_564 = vector.broadcast %parallel_loop3A_416 : i32 to vector<16xi32>
      %parallel_loop3A_565 = arith.addi %parallel_loop3A_563, %parallel_loop3A_564 : vector<16xi32>
      %parallel_loop3A_566 = arith.constant 384 : i32
      %parallel_loop3A_567 = arith.addi %parallel_loop3A_416, %parallel_loop3A_566 : i32
      %parallel_loop3A_568 = arith.index_cast %parallel_loop3A_567 : i32 to index
      %parallel_loop3A_569 = arith.constant 32 : index
      %parallel_loop3A_570 = tpu.vector_load %arg6[%parallel_loop3A_568, %parallel_loop3A_569] {strides = array<i32>} : memref<512x64xf32, #tpu.memory_space<vmem>>, vector<16xf32>,
      tpu.vector_store_idx %arg7[%select_n3A, %add3A_318, %select_n3A_170, %parallel_loop3A_565], %parallel_loop3A_570 : memref<8x4x8x128xf32, #tpu.memory_space<vmem>>[vector<16xi32>, vector<16xi32>, vector<16xi32>, vector<16xi32>], vector<16xf32>,
      %parallel_loop3A_571 = arith.constant 384 : i32
      %parallel_loop3A_572 = arith.addi %parallel_loop3A_416, %parallel_loop3A_571 : i32
      %parallel_loop3A_573 = arith.index_cast %parallel_loop3A_572 : i32 to index
      %parallel_loop3A_574 = arith.constant 48 : index
      %parallel_loop3A_575 = tpu.vector_load %arg6[%parallel_loop3A_573, %parallel_loop3A_574] {strides = array<i32>} : memref<512x64xf32, #tpu.memory_space<vmem>>, vector<16xf32>,
      tpu.vector_store_idx %arg7[%select_n3A_149, %add3A_318, %select_n3A_193, %parallel_loop3A_565], %parallel_loop3A_575 : memref<8x4x8x128xf32, #tpu.memory_space<vmem>>[vector<16xi32>, vector<16xi32>, vector<16xi32>, vector<16xi32>], vector<16xf32>,
    } {sc.loop_unroll_factor = 4 : i64, sc.parallel_access}
    %mul3A_322 = arith.constant 4 : i32
    %mul3A_323 = arith.muli %add3A, %mul3A_322 : i32
    %add3A_324 = arith.constant 3 : i32
    %add3A_325 = arith.addi %mul3A_323, %add3A_324 : i32
    %dma_start3A_326 = arith.constant 0 : i32
    %dma_start3A_327 = arith.constant 3 : i32
    %dma_start3A_328 = arith.constant 0 : i32
    %dma_start3A_329 = arith.constant 0 : i32
    %dma_start3A_330 = tpu.memref_slice %arg7[%dma_start3A_326, %dma_start3A_327, %dma_start3A_328, %dma_start3A_329] : memref<8x4x8x128xf32, #tpu.memory_space<vmem>> -> memref<8x1x8x128xf32, #tpu.memory_space<vmem>>
    %dma_start3A_331 = arith.constant 0 : i32
    %dma_start3A_332 = arith.constant 0 : i32
    %dma_start3A_333 = arith.constant 0 : i32
    %dma_start3A_334 = tpu.memref_slice %arg4[%dma_start3A_331, %add3A_325, %dma_start3A_332, %dma_start3A_333] : memref<8x128x8x128xf32, #tpu.memory_space<hbm>> -> memref<8x1x8x128xf32, #tpu.memory_space<hbm>>
    %dma_start3A_335 = arith.constant 0 : i32
    %dma_start3A_336 = arith.constant 0 : i32
    %dma_start3A_337 = arith.constant 0 : i32
    %dma_start3A_338 = tpu.memref_slice %arg4[%dma_start3A_335, %add3A_325, %dma_start3A_336, %dma_start3A_337] : memref<8x128x8x128xf32, #tpu.memory_space<hbm>> -> memref<8x1x8x128xf32, #tpu.memory_space<hbm>>
    %dma_start3A_339 = arith.constant 0 : i32
    %dma_start3A_340 = arith.constant 3 : i32
    %dma_start3A_341 = arith.constant 0 : i32
    %dma_start3A_342 = arith.constant 0 : i32
    %dma_start3A_343 = tpu.memref_slice %arg7[%dma_start3A_339, %dma_start3A_340, %dma_start3A_341, %dma_start3A_342] : memref<8x4x8x128xf32, #tpu.memory_space<vmem>> -> memref<8x1x8x128xf32, #tpu.memory_space<vmem>>
    tpu.enqueue_dma source(%dma_start3A_343 : memref<8x1x8x128xf32, #tpu.memory_space<vmem>>) target(%dma_start3A_338 : memref<8x1x8x128xf32, #tpu.memory_space<hbm>>) target_semaphore(%arg9 : memref<!tpu.dma_semaphore, #tpu.memory_space<semaphore_mem>>)
    %dma_wait3A_344 = arith.constant 0 : i32
    %dma_wait3A_345 = arith.constant 0 : i32
    %dma_wait3A_346 = arith.constant 0 : i32
    %dma_wait3A_347 = arith.constant 0 : i32
    %dma_wait3A_348 = tpu.memref_slice %arg7[%dma_wait3A_344, %dma_wait3A_345, %dma_wait3A_346, %dma_wait3A_347] : memref<8x4x8x128xf32, #tpu.memory_space<vmem>> -> memref<8x1x8x128xf32, #tpu.memory_space<vmem>>
    %dma_wait3A_349 = arith.constant 0 : i32
    %dma_wait3A_350 = arith.constant 0 : i32
    %dma_wait3A_351 = arith.constant 0 : i32
    %dma_wait3A_352 = tpu.memref_slice %arg4[%dma_wait3A_349, %add3A_211, %dma_wait3A_350, %dma_wait3A_351] : memref<8x128x8x128xf32, #tpu.memory_space<hbm>> -> memref<8x1x8x128xf32, #tpu.memory_space<hbm>>
    %dma_wait3A_353 = arith.constant 0 : i32
    %dma_wait3A_354 = arith.constant 0 : i32
    %dma_wait3A_355 = arith.constant 0 : i32
    %dma_wait3A_356 = tpu.memref_slice %arg4[%dma_wait3A_353, %add3A_211, %dma_wait3A_354, %dma_wait3A_355] : memref<8x128x8x128xf32, #tpu.memory_space<hbm>> -> memref<8x1x8x128xf32, #tpu.memory_space<hbm>>
    %dma_wait3A_357 = arith.constant 0 : i32
    %dma_wait3A_358 = arith.constant 0 : i32
    %dma_wait3A_359 = arith.constant 0 : i32
    %dma_wait3A_360 = arith.constant 0 : i32
    %dma_wait3A_361 = tpu.memref_slice %arg7[%dma_wait3A_357, %dma_wait3A_358, %dma_wait3A_359, %dma_wait3A_360] : memref<8x4x8x128xf32, #tpu.memory_space<vmem>> -> memref<8x1x8x128xf32, #tpu.memory_space<vmem>>
    tpu.wait_dma2 semaphore(%arg9 : memref<!tpu.dma_semaphore, #tpu.memory_space<semaphore_mem>>) src(%dma_wait3A_361 : memref<8x1x8x128xf32, #tpu.memory_space<vmem>>) dst(%dma_wait3A_356 : memref<8x1x8x128xf32, #tpu.memory_space<hbm>>)
    %dma_wait3A_362 = arith.constant 0 : i32
    %dma_wait3A_363 = arith.constant 1 : i32
    %dma_wait3A_364 = arith.constant 0 : i32
    %dma_wait3A_365 = arith.constant 0 : i32
    %dma_wait3A_366 = tpu.memref_slice %arg7[%dma_wait3A_362, %dma_wait3A_363, %dma_wait3A_364, %dma_wait3A_365] : memref<8x4x8x128xf32, #tpu.memory_space<vmem>> -> memref<8x1x8x128xf32, #tpu.memory_space<vmem>>
    %dma_wait3A_367 = arith.constant 0 : i32
    %dma_wait3A_368 = arith.constant 0 : i32
    %dma_wait3A_369 = arith.constant 0 : i32
    %dma_wait3A_370 = tpu.memref_slice %arg4[%dma_wait3A_367, %add3A_249, %dma_wait3A_368, %dma_wait3A_369] : memref<8x128x8x128xf32, #tpu.memory_space<hbm>> -> memref<8x1x8x128xf32, #tpu.memory_space<hbm>>
    %dma_wait3A_371 = arith.constant 0 : i32
    %dma_wait3A_372 = arith.constant 0 : i32
    %dma_wait3A_373 = arith.constant 0 : i32
    %dma_wait3A_374 = tpu.memref_slice %arg4[%dma_wait3A_371, %add3A_249, %dma_wait3A_372, %dma_wait3A_373] : memref<8x128x8x128xf32, #tpu.memory_space<hbm>> -> memref<8x1x8x128xf32, #tpu.memory_space<hbm>>
    %dma_wait3A_375 = arith.constant 0 : i32
    %dma_wait3A_376 = arith.constant 1 : i32
    %dma_wait3A_377 = arith.constant 0 : i32
    %dma_wait3A_378 = arith.constant 0 : i32
    %dma_wait3A_379 = tpu.memref_slice %arg7[%dma_wait3A_375, %dma_wait3A_376, %dma_wait3A_377, %dma_wait3A_378] : memref<8x4x8x128xf32, #tpu.memory_space<vmem>> -> memref<8x1x8x128xf32, #tpu.memory_space<vmem>>
    tpu.wait_dma2 semaphore(%arg9 : memref<!tpu.dma_semaphore, #tpu.memory_space<semaphore_mem>>) src(%dma_wait3A_379 : memref<8x1x8x128xf32, #tpu.memory_space<vmem>>) dst(%dma_wait3A_374 : memref<8x1x8x128xf32, #tpu.memory_space<hbm>>)
    %dma_wait3A_380 = arith.constant 0 : i32
    %dma_wait3A_381 = arith.constant 2 : i32
    %dma_wait3A_382 = arith.constant 0 : i32
    %dma_wait3A_383 = arith.constant 0 : i32
    %dma_wait3A_384 = tpu.memref_slice %arg7[%dma_wait3A_380, %dma_wait3A_381, %dma_wait3A_382, %dma_wait3A_383] : memref<8x4x8x128xf32, #tpu.memory_space<vmem>> -> memref<8x1x8x128xf32, #tpu.memory_space<vmem>>
    %dma_wait3A_385 = arith.constant 0 : i32
    %dma_wait3A_386 = arith.constant 0 : i32
    %dma_wait3A_387 = arith.constant 0 : i32
    %dma_wait3A_388 = tpu.memref_slice %arg4[%dma_wait3A_385, %add3A_287, %dma_wait3A_386, %dma_wait3A_387] : memref<8x128x8x128xf32, #tpu.memory_space<hbm>> -> memref<8x1x8x128xf32, #tpu.memory_space<hbm>>
    %dma_wait3A_389 = arith.constant 0 : i32
    %dma_wait3A_390 = arith.constant 0 : i32
    %dma_wait3A_391 = arith.constant 0 : i32
    %dma_wait3A_392 = tpu.memref_slice %arg4[%dma_wait3A_389, %add3A_287, %dma_wait3A_390, %dma_wait3A_391] : memref<8x128x8x128xf32, #tpu.memory_space<hbm>> -> memref<8x1x8x128xf32, #tpu.memory_space<hbm>>
    %dma_wait3A_393 = arith.constant 0 : i32
    %dma_wait3A_394 = arith.constant 2 : i32
    %dma_wait3A_395 = arith.constant 0 : i32
    %dma_wait3A_396 = arith.constant 0 : i32
    %dma_wait3A_397 = tpu.memref_slice %arg7[%dma_wait3A_393, %dma_wait3A_394, %dma_wait3A_395, %dma_wait3A_396] : memref<8x4x8x128xf32, #tpu.memory_space<vmem>> -> memref<8x1x8x128xf32, #tpu.memory_space<vmem>>
    tpu.wait_dma2 semaphore(%arg9 : memref<!tpu.dma_semaphore, #tpu.memory_space<semaphore_mem>>) src(%dma_wait3A_397 : memref<8x1x8x128xf32, #tpu.memory_space<vmem>>) dst(%dma_wait3A_392 : memref<8x1x8x128xf32, #tpu.memory_space<hbm>>)
    %dma_wait3A_398 = arith.constant 0 : i32
    %dma_wait3A_399 = arith.constant 3 : i32
    %dma_wait3A_400 = arith.constant 0 : i32
    %dma_wait3A_401 = arith.constant 0 : i32
    %dma_wait3A_402 = tpu.memref_slice %arg7[%dma_wait3A_398, %dma_wait3A_399, %dma_wait3A_400, %dma_wait3A_401] : memref<8x4x8x128xf32, #tpu.memory_space<vmem>> -> memref<8x1x8x128xf32, #tpu.memory_space<vmem>>
    %dma_wait3A_403 = arith.constant 0 : i32
    %dma_wait3A_404 = arith.constant 0 : i32
    %dma_wait3A_405 = arith.constant 0 : i32
    %dma_wait3A_406 = tpu.memref_slice %arg4[%dma_wait3A_403, %add3A_325, %dma_wait3A_404, %dma_wait3A_405] : memref<8x128x8x128xf32, #tpu.memory_space<hbm>> -> memref<8x1x8x128xf32, #tpu.memory_space<hbm>>
    %dma_wait3A_407 = arith.constant 0 : i32
    %dma_wait3A_408 = arith.constant 0 : i32
    %dma_wait3A_409 = arith.constant 0 : i32
    %dma_wait3A_410 = tpu.memref_slice %arg4[%dma_wait3A_407, %add3A_325, %dma_wait3A_408, %dma_wait3A_409] : memref<8x128x8x128xf32, #tpu.memory_space<hbm>> -> memref<8x1x8x128xf32, #tpu.memory_space<hbm>>
    %dma_wait3A_411 = arith.constant 0 : i32
    %dma_wait3A_412 = arith.constant 3 : i32
    %dma_wait3A_413 = arith.constant 0 : i32
    %dma_wait3A_414 = arith.constant 0 : i32
    %dma_wait3A_415 = tpu.memref_slice %arg7[%dma_wait3A_411, %dma_wait3A_412, %dma_wait3A_413, %dma_wait3A_414] : memref<8x4x8x128xf32, #tpu.memory_space<vmem>> -> memref<8x1x8x128xf32, #tpu.memory_space<vmem>>
    tpu.wait_dma2 semaphore(%arg9 : memref<!tpu.dma_semaphore, #tpu.memory_space<semaphore_mem>>) src(%dma_wait3A_415 : memref<8x1x8x128xf32, #tpu.memory_space<vmem>>) dst(%dma_wait3A_410 : memref<8x1x8x128xf32, #tpu.memory_space<hbm>>)
    return
  }
}

</mosaic_0001>

<sc_bundles>
// kernel: kernel.3.cloned.1.call-start
scs
__scs_entry_jumppad:
0x0: {  	(pc) =	sbr.rel $0x88, $3  }
0x1: {  	(tag) =	ssettag $0x0;
	lr =	simm.s32 $0x1  }
0x2: {  	[smem:$0x3F9F] =	sst lr;
	_ =	strace $0xD0000000  }
0x3: {  	_ = 	snop  }
0x4: {  	_ = 	snop  }
0x5: {  	_ = 	snop  }
0x6: {  	_ = 	snop  }
0x7: {  	_ = 	snop  }
__scs_overlays_trampoline_lowered:
0x8: {  	[smem:$0x3FAE] =	sst s0  }
0x9: {  	[smem:$0x3FAF] =	sst s1  }
0xa: {  	[smem:$0x3FB0] =	sst s2  }
0xb: {  	[smem:$0x3FB1] =	sst s3  }
0xc: {  	[smem:$0x3FB2] =	sst s4  }
0xd: {  	[smem:$0x3FB3] =	sst s5  }
0xe: {  	[smem:$0x3FB4] =	sst s6  }
0xf: {  	[smem:$0x3FB5] =	sst s7  }
0x10: {  	[smem:$0x3FB6] =	sst s8  }
0x11: {  	[smem:$0x3FB7] =	sst s9;
	s0 =	simm.s32 @!p0 $0x0  }
0x12: {  	s1 =	sld [smem:$0x3F9D];
	s0 =	simm.s32 @p0 $0x1  }
0x13: {  	[smem:$0x3FB8] =	sst s0;
	s0 =	simm.s32 @!p1 $0x0  }
0x14: {  	s2 =	sld [smem:$0x3F9C];
	s0 =	simm.s32 @p1 $0x1  }
0x15: {  	[smem:$0x3FB9] =	sst s0;
	s0 =	simm.s32 @!p2 $0x0  }
0x16: {  	s3 =	sld [smem:$0x3FDB];
	s0 =	simm.s32 @p2 $0x1  }
0x17: {  	s4 =	simm.s32 $0x1BF5;
	[smem:$0x3FBB] =	sst s0  }
0x18: {  	s0 =	sld [smem:$0x3F9E];
	_ =	swait.ge [sflag:s4], $0x0  }
0x19: {  	s7 =	sld [smem:$0x3F9F]  }
0x1a: {  	s8 =	sadd.s32 $0xFFFFE003, lr  }
0x1b: {  	s9 =	sadd.s32 $0xFFFFFEF7, lr;
	s5 =	simm.s32 $0xFFFFFFFF;
	p2 =	slt.u32 s8, $0xFFFFF086  }
0x1c: {  	p1 =	slt.u32 s9, $0xF7A;
	s5 =	simm.s32 @!p2 $0x0  }
0x1d: {  	s5 =	simm.s32 @p1 $0x1;
	p0 =	seq.s32 s7, s2  }
0x1e: {  	s7 =	smul.u32 @!p0 $0xF7A, s2;
	p2 =	seq.s32 @!p0 s5, $0x0  }
0x1f: {  	s9 =	smul.u32 $0xF7A, s1;
	s8 =	simm.s32 @!p0 $0x1BF5;
	p2 =	por !p2, p0  }
0x20: {  	[sflag:s8] =	ssyncset.s32 @!p0 $0xFFFFF086;
	s6 =	sadd.s32 @!p0 s3, s7;
	s7 =	simm.s32 @!p0 $0x108  }
0x21: {  	s3 =	sadd.s32 s3, s9;
	s6 =	sadd.s32 @!p0 $0x88, s6;
	s7 =	simm.s32 @p2 $0x1082  }
0x22: {  	[simem:s7], [sflag:s8] =	dma.local @!p0 [hbm:s6], $0xF7A  }
0x23: {  	s9 =	sor.u32 $0xD0000000, s2;
	s6 =	simm.s32 $0x108;
	_ =	swait.ge @!p0 [sflag:s8], $0x0  }
0x24: {  	s3 =	sadd.s32 $0x88, s3;
	s6 =	simm.s32 @!p1 $0x1082;
	[sflag:s4] =	ssyncset.s32 $0xFFFFF086  }
0x25: {  	[simem:s6], [sflag:s4] =	dma.local [hbm:s3], $0xF7A  }
0x26: {  	[smem:$0x3F9F] =	sst s1;
	(tag) =	ssettag s2;
	_ =	strace s9  }
0x27: {  	s1 =	sld [smem:$0x3FAF]  }
0x28: {  	s2 =	sld [smem:$0x3FB0]  }
0x29: {  	s4 =	sld [smem:$0x3FB2]  }
0x2a: {  	p0 =	seq.s32 s5, $0x0;
	s5 =	sld [smem:$0x3FB3]  }
0x2b: {  	s6 =	sld [smem:$0x3FB4]  }
0x2c: {  	s7 =	sld [smem:$0x3FB5]  }
0x2d: {  	s3 =	simm.s32 $0x108;
	s8 =	sld [smem:$0x3FB6]  }
0x2e: {  	s3 =	simm.s32 @!p0 $0x1082;
	s9 =	sld [smem:$0x3FB7]  }
0x2f: {  	lr =	sadd.s32 s0, s3;
	s0 =	sld [smem:$0x3FAE]  }
0x30: {  	s3 =	sld [smem:$0x3FB1]  }
0x31: {  	[smem:$0x3FBA] =	sst s10  }
0x32: {  	s10 =	sld [smem:$0x3FB8];
	_ =	sdelay $0x3  }
0x33: {  	p0 =	seq.s32 s10, $0x1;
	s10 =	sld [smem:$0x3FBA];
	_ =	sdelay $0x3  }
0x34: {  	[smem:$0x3FBA] =	sst s10  }
0x35: {  	s10 =	sld [smem:$0x3FB9];
	_ =	sdelay $0x3  }
0x36: {  	p1 =	seq.s32 s10, $0x1;
	s10 =	sld [smem:$0x3FBA];
	_ =	sdelay $0x3  }
0x37: {  	[smem:$0x3FBA] =	sst s10  }
0x38: {  	s10 =	sld [smem:$0x3FBB]  }
0x39: {  	_ = 	snop;
	(pc) =	sbr.ind lr, $3  }
0x3a: {  	_ = 	snop  }
0x3b: {  	_ = 	snop  }
0x3c: {  	p2 =	seq.s32 s10, $0x1;
	s10 =	sld [smem:$0x3FBA]  }
0x3d: {  	_ =	shalt  }
0x3e: {  	_ =	shalt  }
0x3f: {  	_ =	shalt  }
0x40: {  	_ =	shalt  }
0x41: {  	_ =	shalt  }
0x42: {  	_ =	shalt  }
0x43: {  	_ =	shalt  }
0x44: {  	_ =	shalt  }
0x45: {  	_ =	shalt  }
0x46: {  	_ =	shalt  }
0x47: {  	_ =	shalt  }
0x48: {  	_ =	shalt  }
0x49: {  	_ =	shalt  }
0x4a: {  	_ =	shalt  }
0x4b: {  	_ =	shalt  }
0x4c: {  	_ =	shalt  }
0x4d: {  	_ =	shalt  }
0x4e: {  	_ =	shalt  }
0x4f: {  	_ =	shalt  }
0x50: {  	_ =	shalt  }
0x51: {  	_ =	shalt  }
0x52: {  	_ =	shalt  }
0x53: {  	_ =	shalt  }
0x54: {  	_ =	shalt  }
0x55: {  	_ =	shalt  }
0x56: {  	_ =	shalt  }
0x57: {  	_ =	shalt  }
0x58: {  	_ =	shalt  }
0x59: {  	_ =	shalt  }
0x5a: {  	_ =	shalt  }
0x5b: {  	_ =	shalt  }
0x5c: {  	_ =	shalt  }
0x5d: {  	_ =	shalt  }
0x5e: {  	_ =	shalt  }
0x5f: {  	_ =	shalt  }
0x60: {  	_ =	shalt  }
0x61: {  	_ =	shalt  }
0x62: {  	_ =	shalt  }
0x63: {  	_ =	shalt  }
0x64: {  	_ =	shalt  }
0x65: {  	_ =	shalt  }
0x66: {  	_ =	shalt  }
0x67: {  	_ =	shalt  }
0x68: {  	_ =	shalt  }
0x69: {  	_ =	shalt  }
0x6a: {  	_ =	shalt  }
0x6b: {  	_ =	shalt  }
0x6c: {  	_ =	shalt  }
0x6d: {  	_ =	shalt  }
0x6e: {  	_ =	shalt  }
0x6f: {  	_ =	shalt  }
0x70: {  	_ =	shalt  }
0x71: {  	_ =	shalt  }
0x72: {  	_ =	shalt  }
0x73: {  	_ =	shalt  }
0x74: {  	_ =	shalt  }
0x75: {  	_ =	shalt  }
0x76: {  	_ =	shalt  }
0x77: {  	_ =	shalt  }
0x78: {  	_ =	shalt  }
0x79: {  	_ =	shalt  }
0x7a: {  	_ =	shalt  }
0x7b: {  	_ =	shalt  }
0x7c: {  	_ =	shalt  }
0x7d: {  	_ =	shalt  }
0x7e: {  	_ =	shalt  }
0x7f: {  	_ =	shalt  }
0x80: {  	_ =	shalt  }
0x81: {  	_ =	shalt  }
0x82: {  	_ =	shalt  }
0x83: {  	_ =	shalt  }
0x84: {  	_ =	shalt  }
0x85: {  	_ =	shalt  }
0x86: {  	_ =	shalt  }
0x87: {  	_ =	shalt  }
.Lfunc_end0:
.L_simem_size_0:
called_computation_lowered:
.L_overlay_start_0:
0x88: {  	s2 =	sld [smem:$0x3FD9]  }
0x89: {  	s3 =	sld [smem:$0x3FFE];
	_ =	sdelay $0x1  }
0x8a: {  	s1 =	srdreg.scid  }
0x8b: {  	s0 =	sand.u32 $0x1, s1  }
0x8c: {  	s17 =	sshll.u32 s0, $0xA;
	s2 =	sadd.s32 s3, s2  }
0x8d: {  	s2 =	sadd.s32 s2, s17  }
0x8e: {  	[smem:$0x3FC6] =	sst s2  }
0x8f: {  	_ = 	snop  }
0x90: {  	s2 =	sld [smem:$0x3FD0];
	(tm) =	ssettm $0x1  }
0x91: {  	s18 =	sld [smem:$0x3FFB];
	_ =	sdelay $0x3  }
0x92: {  	_ =	strace s18  }
0x93: {  	s3 =	sld [smem:$0x3FFC];
	_ =	sdelay $0x3  }
0x94: {  	_ =	strace s3  }
0x95: {  	s3 =	sld [smem:$0x3FFD];
	_ =	sdelay $0x3  }
0x96: {  	_ =	strace s3  }
0x97: {  	_ =	strace $0x8FFFFFFF  }
0x98: {  	s19 =	sld [smem:$0x3FDB];
	_ =	sdelay $0x1  }
0x99: {  	s4 =	simm.s32 $_scs_section_size  }
0x9a: {  	s5 =	simm.s32 $_size__tile_overlayer_lowered;
	s6 =	simm.s32 $_tile_overlayer_lowered  }
0x9b: {  	s22 =	simm.s32 $0x1BFF;
	s21 =	sshll.u32 s6, $0x1;
	s3 =	sadd.s32 s4, s19  }
0x9c: {  	s7 =	simm.s32 $0x0;
	s20 =	sshll.u32 s5, $0x1;
	s5 =	sadd.s32 s21, s3  }
0x9d: {  	[timem:s7], [sflag:s22] =	dma.local [hbm:s5], s20  }
0x9e: {  	_ =	swait.ge [sflag:s22], s20  }
0x9f: {  	s4 =	ssub.s32 $0x0, s20;
	[sflag:s22] =	ssyncset.done $0x0  }
0xa0: {  	[sflag:s22] =	ssyncadd.s32 s4;
	_ =	sdelay $0x1  }
0xa1: {  	s23 =	simm.s32 $0x1B8B  }
0xa2: {  	_ =	swait.ge [sflag:s23], $0x1  }
0xa3: {  	[sflag:s23] =	ssyncset.done $0x0  }
0xa4: {  	s25 =	simm.s32 $0x1B8E;
	s24 =	sld [smem:$0x3FFE];
	[sflag:s23] =	ssyncadd.s32 $0xFFFFFFFF  }
0xa5: {  	s26 =	simm.s32 $execute0_lowered;
	[smem:$0x3FD2] =	sst s25  }
0xa6: {  	s5 =	sshll.u32 s26, $0x1;
	_ =	strace $0x80000046;
	[dreg:$0x1] =	wrdreg $0xFFFFFFFF  }
0xa7: {  	s28 =	simm.s32 $_size_execute0_lowered;
	s3 =	sadd.s32 s3, s5;
	[dreg:$0x0] =	wrdreg $0x0  }
0xa8: {  	s5 =	sshll.u32 s28, $0x1;
	[dreg:$0x2] =	wrdreg s3  }
0xa9: {  	[dreg:$0x3] =	wrdreg s5  }
0xaa: {  	[dreg:$0x4] =	wrdreg $0xC0  }
0xab: {  	_ =	task [dreg:s7], $0x5FFFF  }
0xac: {  	[dreg:$0x1] =	wrdreg $0xFFFFFFFF  }
0xad: {  	[dreg:$0x0] =	wrdreg $0x60  }
0xae: {  	[dreg:$0x2] =	wrdreg s24  }
0xaf: {  	[dreg:$0x3] =	wrdreg s2  }
0xb0: {  	[dreg:$0x4] =	wrdreg $0x9  }
0xb1: {  	_ =	task.clear_ibuf [dreg:s7], $0x5FFFF;
	_ =	strace $0x90000046  }
0xb2: {  	s29 =	simm.s32 $0x9;
	_ =	strace $0x80000048  }
0xb3: {  	_ =	swait.ge [sflag:s29], $0x1  }
0xb4: {  	[sflag:s29] =	ssyncadd.s32 $0xFFFFFFFF  }
0xb5: {  	_ =	strace $0x90000048  }
0xb6: {  	_ =	sfence  }
0xb7: {  	s30 =	sld [smem:$0x0];
	_ =	sdelay $0x2  }
0xb8: {  	s31 =	sshll.u32 s1, $0xD;
	s1 =	sshrl.u32 s1, $0x2  }
0xb9: {  	s3 =	sand.u32 $0x4000, s31;
	s1 =	sadd.s32 s1, s30  }
0xba: {  	s0 =	sor.u32 s3, s0;
	s1 =	sshll.u32 s1, $0x11  }
0xbb: {  	s0 =	sor.u32 s1, s0  }
0xbc: {  	s0 =	sadd.s32 $0x8F2B, s0  }
0xbd: {  	[sflag:s0] =	ssyncadd.remote.s32 $0x1  }
0xbe: {  	_ =	sfence.sel $0xFFFF  }
0xbf: {  	[dreg:$0x0] =	wrdreg $0xFFFFFFFF;
	(pc) =	sbr.abs _section_cstart, $3  }
0xc0: {  	[dreg:$0x1] =	wrdreg $0xFFFFFFFF  }
0xc1: {  	_ =	task.clear_ibuf [dreg:s7], $0x2FFFF;
	_ =	strace $0x9FFFFFFF  }
0xc2: {  	(tm) =	ssettm $0x7FFFFFFF  }
0xc3: {  	_ =	shalt  }
tec
execute0_lowered:
.L_overlay_start_1:
0x0: {  	(tag) =	ssettag $0x1  }
0x1: {  	v0 =	vlaneseq.u32;
	v1 =	vimm.s32 $0x5380  }
0x2: {  	vm14 =	vcmask $0x300;
	v2 =	vimm.s32 $0x7380;
	vm13 =	vcmask $0x704  }
0x3: {  	vm12 =	vcmask $0xB08;
	vm11 =	vcmask $0xF0C;
	vm10 =	vcmask $0x1310  }
0x4: {  	vm9 =	vcmask $0x1714;
	vm8 =	vcmask $0x1B18;
	vm7 =	vcmask $0x1F1C  }
0x5: {  	vm6 =	vcmask $0x2320;
	vm5 =	vcmask $0x2724;
	vm4 =	vcmask $0x2B28  }
0x6: {  	vm3 =	vcmask $0x2F2C;
	vm2 =	vcmask $0x3330;
	vm1 =	vcmask $0x3734  }
0x7: {  	vm0 =	vcmask $0x3B38;
	v6 =	vimm.s32 $0x5780;
	v7 =	vimm.s32 $0x7780  }
0x8: {  	v14 =	vimm.s32 $0x5B80;
	v17 =	vimm.s32 $0x7B80;
	v24 =	vimm.s32 $0x5F80  }
0x9: {  	v25 =	vimm.s32 $0x7F80;
	v0 =	vmul.u32 $0x40, v0;
	v1 =	vsel vm14, $0x4000, v1  }
0xa: {  	v2 =	vsel vm14, $0x6000, v2;
	v8 =	vsel vm14, $0x4400, v6;
	v7 =	vsel vm14, $0x6400, v7  }
0xb: {  	v14 =	vsel vm14, $0x4800, v14;
	v17 =	vsel vm14, $0x6800, v17;
	v24 =	vsel vm14, $0x4C00, v24  }
0xc: {  	v25 =	vsel vm14, $0x6C00, v25;
	v1 =	vsel vm13, $0x4080, v1;
	v2 =	vsel vm13, $0x6080, v2  }
0xd: {  	v8 =	vsel vm13, $0x4480, v8;
	v9 =	vsel vm13, $0x6480, v7;
	v14 =	vsel vm13, $0x4880, v14  }
0xe: {  	v19 =	vsel vm13, $0x6880, v17;
	v24 =	vsel vm13, $0x4C80, v24;
	v25 =	vsel vm13, $0x6C80, v25  }
0xf: {  	v1 =	vsel vm12, $0x4100, v1;
	v2 =	vsel vm12, $0x6100, v2;
	v5 =	vor.u32 $0xC00, v0  }
0x10: {  	v7 =	vor.u32 $0x1400, v0;
	v10 =	vsel vm12, $0x4500, v8;
	v9 =	vsel vm12, $0x6500, v9  }
0x11: {  	v8 =	vor.u32 $0x1800, v0;
	v14 =	vsel vm12, $0x4900, v14;
	v17 =	vor.u32 $0x3400, v0  }
0x12: {  	v19 =	vsel vm12, $0x6900, v19;
	v24 =	vsel vm12, $0x4D00, v24;
	v25 =	vsel vm12, $0x6D00, v25  }
0x13: {  	v34 =	vor.u32 $0x6800, v0;
	v35 =	vor.u32 $0x6C00, v0;
	v36 =	vor.u32 $0x7000, v0  }
0x14: {  	v37 =	vor.u32 $0x7400, v0;
	v38 =	vor.u32 $0x7800, v0;
	v39 =	vor.u32 $0x7C00, v0  }
0x15: {  	v1 =	vsel vm11, $0x4180, v1;
	v2 =	vsel vm11, $0x6180, v2;
	v6 =	vmovc v5;
	v5 =	vor.u32 $0x1000, v0  }
0x16: {  	v10 =	vsel vm11, $0x4580, v10;
	v11 =	vsel vm11, $0x6580, v9;
	v9 =	vor.u32 $0x1C00, v0  }
0x17: {  	v14 =	vsel vm11, $0x4980, v14;
	v21 =	vsel vm11, $0x6980, v19;
	v19 =	vor.u32 $0x3C00, v0  }
0x18: {  	v24 =	vsel vm11, $0x4D80, v24;
	v25 =	vsel vm11, $0x6D80, v25;
	v1 =	vsel vm10, $0x4200, v1  }
0x19: {  	v2 =	vsel vm10, $0x6200, v2;
	v12 =	vsel vm10, $0x4600, v10;
	v11 =	vsel vm10, $0x6600, v11  }
0x1a: {  	v10 =	vor.u32 $0x2000, v0;
	v14 =	vsel vm10, $0x4A00, v14;
	v21 =	vsel vm10, $0x6A00, v21  }
0x1b: {  	v24 =	vsel vm10, $0x4E00, v24;
	v25 =	vsel vm10, $0x6E00, v25;
	v1 =	vsel vm9, $0x4280, v1  }
0x1c: {  	v2 =	vsel vm9, $0x6280, v2;
	v12 =	vsel vm9, $0x4680, v12;
	v13 =	vsel vm9, $0x6680, v11  }
0x1d: {  	[tilespmem:$0x1FF80] =	vst v10;
	v10 =	vor.u32 $0x2400, v0;
	v14 =	vsel vm9, $0x4A80, v14;
	v23 =	vsel vm9, $0x6A80, v21  }
0x1e: {  	v21 =	vor.u32 $0x4400, v0;
	v24 =	vsel vm9, $0x4E80, v24;
	v25 =	vsel vm9, $0x6E80, v25  }
0x1f: {  	v1 =	vsel vm8, $0x4300, v1;
	v2 =	vsel vm8, $0x6300, v2;
	v12 =	vsel vm8, $0x4700, v12  }
0x20: {  	v13 =	vsel vm8, $0x6700, v13;
	v15 =	vsel vm8, $0x4B00, v14;
	v14 =	vor.u32 $0x2800, v0  }
0x21: {  	v23 =	vsel vm8, $0x6B00, v23;
	v26 =	vsel vm8, $0x4F00, v24;
	v25 =	vsel vm8, $0x6F00, v25  }
0x22: {  	v24 =	vor.u32 $0x4800, v0;
	v1 =	vsel vm7, $0x4380, v1;
	v2 =	vsel vm7, $0x6380, v2  }
0x23: {  	v12 =	vsel vm7, $0x4780, v12;
	v13 =	vsel vm7, $0x6780, v13;
	v16 =	vsel vm7, $0x4B80, v15  }
0x24: {  	v15 =	vor.u32 $0x2C00, v0;
	v23 =	vsel vm7, $0x6B80, v23;
	v26 =	vsel vm7, $0x4F80, v26  }
0x25: {  	v27 =	vsel vm7, $0x6F80, v25;
	v25 =	vor.u32 $0x4C00, v0;
	v1 =	vsel vm6, $0x5000, v1  }
0x26: {  	v2 =	vsel vm6, $0x7000, v2;
	v12 =	vsel vm6, $0x5400, v12;
	v13 =	vsel vm6, $0x7400, v13  }
0x27: {  	v18 =	vsel vm6, $0x5800, v16;
	v16 =	vor.u32 $0x3000, v0;
	v23 =	vsel vm6, $0x7800, v23  }
0x28: {  	v28 =	vsel vm6, $0x5C00, v26;
	v27 =	vsel vm6, $0x7C00, v27;
	v26 =	vor.u32 $0x5000, v0  }
0x29: {  	v1 =	vsel vm5, $0x5080, v1;
	v2 =	vsel vm5, $0x7080, v2;
	v12 =	vsel vm5, $0x5480, v12  }
0x2a: {  	v13 =	vsel vm5, $0x7480, v13;
	v18 =	vsel vm5, $0x5880, v18;
	v23 =	vsel vm5, $0x7880, v23  }
0x2b: {  	v28 =	vsel vm5, $0x5C80, v28;
	v29 =	vsel vm5, $0x7C80, v27;
	v27 =	vor.u32 $0x5400, v0  }
0x2c: {  	v1 =	vsel vm4, $0x5100, v1;
	v2 =	vsel vm4, $0x7100, v2;
	v12 =	vsel vm4, $0x5500, v12  }
0x2d: {  	v13 =	vsel vm4, $0x7500, v13;
	v20 =	vsel vm4, $0x5900, v18;
	v18 =	vor.u32 $0x3800, v0  }
0x2e: {  	v23 =	vsel vm4, $0x7900, v23;
	v30 =	vsel vm4, $0x5D00, v28;
	v29 =	vsel vm4, $0x7D00, v29  }
0x2f: {  	v28 =	vor.u32 $0x5800, v0;
	v1 =	vsel vm3, $0x5180, v1;
	v2 =	vsel vm3, $0x7180, v2  }
0x30: {  	s0 =	rddreg [dreg:$0x0];
	s1 =	srdreg.scid;
	v12 =	vsel vm3, $0x5580, v12;
	v13 =	vsel vm3, $0x7580, v13;
	v20 =	vsel vm3, $0x5980, v20  }
0x31: {  	s2 =	stileid.u32;
	s6 =	rddreg [dreg:$0x1];
	v23 =	vsel vm3, $0x7980, v23;
	v30 =	vsel vm3, $0x5D80, v30;
	v31 =	vsel vm3, $0x7D80, v29  }
0x32: {  	s13 =	simm.s32 $0x80;
	s14 =	simm.s32 $0x100;
	s15 =	simm.s32 $0x180;
	v29 =	vor.u32 $0x5C00, v0;
	v1 =	vsel vm2, $0x5200, v1;
	v2 =	vsel vm2, $0x7200, v2  }
0x33: {  	s16 =	simm.s32 $0x2;
	s17 =	simm.s32 $0x200;
	s21 =	simm.s32 $0x1;
	v12 =	vsel vm2, $0x5600, v12;
	v13 =	vsel vm2, $0x7600, v13;
	v22 =	vsel vm2, $0x5A00, v20  }
0x34: {  	s22 =	simm.s32 $0x8200;
	s3 =	sshll.u32 s2, $0x1;
	s2 =	simm.s32 $0x0;
	v20 =	vor.u32 $0x4000, v0;
	v23 =	vsel vm2, $0x7A00, v23;
	v32 =	vsel vm2, $0x5E00, v30  }
0x35: {  	s29 =	simm.s32 $0x0;
	s1 =	sand.u32 $0x1, s1;
	[smem:$0x7FF] =	sst s2;
	[tilespmem:$0x1FF90] =	vst v10;
	v31 =	vsel vm2, $0x7E00, v31;
	v30 =	vor.u32 $0x6000, v0;
	v3 =	vsel vm1, $0x5280, v1  }
0x36: {  	s4 =	sor.u32 s1, s3;
	s1 =	ssub.s32 $0x2, s1;
	_ =	strace $0x80000047;
	[tilespmem:$0x1FFA0] =	vst v0;
	v4 =	vsel vm1, $0x7280, v2;
	v1 =	vor.u32 $0x400, v0;
	v12 =	vsel vm1, $0x5680, v12  }
0x37: {  	s3 =	sshll.u32 s4, $0x6;
	s5 =	sshrl.u32 s1, $0x1;
	s31 =	sshll.u32 s4, $0x9;
	[tilespmem:$0x1FFC0] =	vst v5;
	v13 =	vsel vm1, $0x7680, v13;
	v22 =	vsel vm1, $0x5A80, v22;
	v23 =	vsel vm1, $0x7A80, v23  }
0x38: {  	s8 =	sadd.s32 s3, s0;
	s3 =	sadd.s32 $0xC00, s0;
	s30 =	ssub.s32 s1, s5;
	[tilespmem:$0x1FFD0] =	vst v7;
	v32 =	vsel vm1, $0x5E80, v32;
	v33 =	vsel vm1, $0x7E80, v31;
	v31 =	vor.u32 $0x6400, v0  }
0x39: {  	s6 =	sadd.s32 s6, s31;
	s4 =	sadd.s32 $0x400, s8;
	s5 =	sadd.s32 $0x410, s8;
	[tilespmem:$0x1FFE0] =	vst v8;
	v2 =	vsel vm0, $0x5300, v3;
	v3 =	vsel vm0, $0x7300, v4;
	v12 =	vsel vm0, $0x5700, v12  }
0x3a: {  	s7 =	sadd.s32 $0x420, s8;
	s8 =	sadd.s32 $0x430, s8;
	s9 =	sadd.s32 $0x80, s6;
	[tilespmem:$0x1FFF0] =	vst v9;
	v13 =	vsel vm0, $0x7700, v13;
	v22 =	vsel vm0, $0x5B00, v22;
	v4 =	vmovc v1;
	v1 =	vor.u32 $0x800, v0  }
0x3b: {  	s10 =	sadd.s32 $0x100, s6;
	s11 =	sadd.s32 $0x180, s6;
	s12 =	smax.u32 s30, $0x1;
	v23 =	vsel vm0, $0x7B00, v23;
	v32 =	vsel vm0, $0x5F00, v32;
	v33 =	vsel vm0, $0x7F00, v33;
	[tilespmem:$0x1FFB0] =	vst v1  }
.LBB2_1:
0x3c: {  	[tilespmem:s2], [sflag:$0x2] =	stream.linear.gather [hbm4b:s4+s2], $0x80, $0x38;
	[tilespmem:$0x10200] =	vst v63  }
0x3d: {  	_ = 	snop  }
0x3e: {  	[tilespmem:s13], [sflag:$0x2] =	stream.linear.gather [hbm4b:s5+s2], $0x80, $0x38;
	[tilespmem:$0x10200] =	vst v63  }
0x3f: {  	_ = 	snop  }
0x40: {  	[tilespmem:s14], [sflag:$0x2] =	stream.linear.gather [hbm4b:s7+s2], $0x80, $0x38;
	[tilespmem:$0x10200] =	vst v63  }
0x41: {  	_ = 	snop  }
0x42: {  	[tilespmem:s15], [sflag:$0x2] =	stream.linear.gather [hbm4b:s8+s2], $0x80, $0x38;
	[tilespmem:$0x10200] =	vst v63  }
0x43: {  	_ =	swait.ge [sflag:s16], $0x80  }
0x44: {  	[sflag:s16] =	ssyncset.done $0x0  }
0x45: {  	[sflag:s16] =	ssyncadd.s32 $0xFFFFFF80  }
0x46: {  	[tilespmem:s17], [sflag:$0x1] =	stream.indirect.gather [hbm4b:s3+s13], $0x40, s2, s13, $0xb8;
	[tilespmem:$0x10200] =	vst v63  }
0x47: {  	_ =	swait.ge [sflag:s16], $0x80  }
0x48: {  	[sflag:s16] =	ssyncset.done $0x0  }
0x49: {  	s0 =	simm.s32 $0x2200;
	[sflag:s16] =	ssyncadd.s32 $0xFFFFFF80  }
0x4a: {  	[tilespmem:s0], [sflag:$0x1] =	stream.indirect.gather [hbm4b:s3+s13], $0x40, s13, s13, $0xb8;
	[tilespmem:$0x10200] =	vst v63  }
0x4b: {  	_ =	swait.ge [sflag:s16], $0x80  }
0x4c: {  	[sflag:s16] =	ssyncset.done $0x0  }
0x4d: {  	v40 =	vmov s2;
	s23 =	simm.s32 $0x4200;
	[sflag:s16] =	ssyncadd.s32 $0xFFFFFF80  }
0x4e: {  	v40 =	vand.u32 $0x1F, v40;
	[tilespmem:s23], [sflag:$0x1] =	stream.indirect.gather [hbm4b:s3+s13], $0x40, s14, s13, $0xb8;
	[tilespmem:$0x10200] =	vst v63  }
0x4f: {  	v40 =	vbroadcast v40, $0x0;
	_ =	swait.ge [sflag:s16], $0x80  }
0x50: {  	s25 =	simm.s32 $0x1;
	[sflag:s16] =	ssyncset.done $0x0  }
0x51: {  	s24 =	simm.s32 $0x6200;
	v43 =	vmov s25;
	v41 =	vor.u32 v5, v40;
	[sflag:s16] =	ssyncadd.s32 $0xFFFFFF80  }
0x52: {  	v43 =	vand.u32 $0x1F, v43;
	v42 =	vor.u32 v8, v40;
	[tilespmem:s24], [sflag:$0x1] =	stream.indirect.gather [hbm4b:s3+s13], $0x40, s15, s13, $0xb8;
	[tilespmem:$0x10200] =	vst v63  }
0x53: {  	v43 =	vbroadcast v43, $0x0;
	v44 =	vor.u32 v0, v40;
	_ =	swait.ge [sflag:s21], $0x2000  }
0x54: {  	v45 =	vor.u32 v1, v40;
	[sflag:s21] =	ssyncset.done $0x0  }
0x55: {  	v47 =	vor.u32 v5, v43;
	[sflag:s21] =	ssyncadd.s32 $0xFFFFE000  }
0x56: {  	v62 =	vor.u32 v8, v43;
	v41 =	vld.idx.msk [tilespmem:v41+s17+$0x0], $0xffff  }
0x57: {  	v49 =	vor.u32 v1, v43;
	v42 =	vld.idx.msk [tilespmem:v42+s17+$0x0], $0xffff  }
0x58: {  	v48 =	vor.u32 v9, v40;
	v44 =	vld.idx.msk [tilespmem:v44+s17+$0x0], $0xffff  }
0x59: {  	s26 =	sand.u32 $0x3000, s2;
	s1 =	sand.u32 $0x380, s2;
	v46 =	vor.u32 v7, v40;
	v45 =	vld.idx.msk [tilespmem:v45+s17+$0x0], $0xffff  }
0x5a: {  	s1 =	sor.u32 s1, s26;
	v50 =	vor.u32 v4, v40;
	v47 =	vld.idx.msk [tilespmem:v47+s17+$0x0], $0xffff  }
0x5b: {  	v40 =	vor.u32 v6, v40;
	v56 =	vld.idx.msk [tilespmem:v62+s17+$0x0], $0xffff;
	[tilespmem:s1+$0x8240] =	vst v41  }
0x5c: {  	v51 =	vor.u32 v0, v43;
	[tilespmem:s1+$0x8260] =	vst v42;
	v41 =	vld.idx.msk [tilespmem:v49+s17+$0x0], $0xffff  }
0x5d: {  	s20 =	simm.s32 $0x2;
	v61 =	vor.u32 v7, v43;
	v48 =	vld.idx.msk [tilespmem:v48+s17+$0x0], $0xffff  }
0x5e: {  	s28 =	simm.s32 $0x3;
	s18 =	simm.s32 $0x80;
	s19 =	simm.s32 $0x200;
	v52 =	vmov s20;
	[tilespmem:s1+$0x8200] =	vst v44;
	v46 =	vld.idx.msk [tilespmem:v46+s17+$0x0], $0xffff  }
0x5f: {  	v59 =	vmov s2;
	s18 =	sand.u32 $0x380, s18;
	v52 =	vand.u32 $0x1F, v52;
	s23 =	simm.s32 $0x2;
	s24 =	sand.u32 $0x3000, s19;
	[tilespmem:s1+$0x8220] =	vst v45;
	v63 =	vld.idx.msk [tilespmem:v50+s17+$0x0], $0xffff  }
0x60: {  	v57 =	vmov s28;
	s25 =	simm.s32 $0x1;
	v58 =	vmov s23;
	s31 =	sor.u32 s18, s24;
	v53 =	vld.idx.msk [tilespmem:v40+s17+$0x0], $0xffff;
	v40 =	vbroadcast v52, $0x0  }
0x61: {  	v60 =	vmov s25;
	v45 =	vand.u32 $0x7E, v58;
	[tilespmem:s31+$0x8240] =	vst v47;
	v47 =	vld.idx.msk [tilespmem:v51+s17+$0x0], $0xffff;
	v50 =	vand.u32 $0x7F, v57  }
0x62: {  	s0 =	simm.s32 $0x2A0;
	v49 =	vor.u32 v4, v43;
	v42 =	vld.idx.msk [tilespmem:v61+s17+$0x0], $0xffff;
	v50 =	vbroadcast v50, $0x0;
	v52 =	vor.u32 v1, v40;
	[tilespmem:s1+$0x8270] =	vst v48  }
0x63: {  	v57 =	vbroadcast v45, $0x0;
	v45 =	vand.u32 $0x7C, v59;
	v55 =	vor.u32 v5, v40;
	[tilespmem:s1+$0x8250] =	vst v46;
	v54 =	vld [tilespmem:s0+$0x40]  }
0x64: {  	v44 =	vand.u32 $0x7D, v60;
	v58 =	vbroadcast v45, $0x0;
	v51 =	vor.u32 v2, v50;
	[tilespmem:s1+$0x8210] =	vst v63;
	v59 =	vld [tilespmem:s0+$0x0]  }
0x65: {  	v60 =	vor.u32 v9, v43;
	v61 =	vor.u32 v2, v57;
	[tilespmem:s1+$0x8230] =	vst v53;
	v48 =	vbroadcast v44, $0x0;
	v62 =	vld [tilespmem:s0+$0xFFFFFF80]  }
0x66: {  	[tilespmem:s31+$0x8260] =	vst v56;
	v45 =	vor.u32 v8, v40;
	v63 =	vor.u32 v2, v58;
	v10 =	vld [tilespmem:s0+$0xFFFFFFC0]  }
0x67: {  	s26 =	simm.s32 $0x7;
	[tilespmem:s31+$0x8200] =	vst v47;
	v46 =	vor.u32 v0, v40;
	v47 =	vld.idx.msk [tilespmem:v52+s17+$0x0], $0xffff;
	v11 =	vor.u32 v2, v48  }
0x68: {  	v44 =	vor.u32 v3, v50;
	[tilespmem:s31+$0x8250] =	vst v42;
	v50 =	vor.u32 v6, v43;
	v42 =	vmov s26;
	v53 =	vld.idx.msk [tilespmem:v55+s17+$0x0], $0xffff  }
0x69: {  	s28 =	simm.s32 $0x6;
	v43 =	vor.u32 v9, v40;
	v42 =	vand.u32 $0x7F, v42;
	v52 =	vld.idx.msk [tilespmem:v49+s17+$0x0], $0xffff;
	[tilespmem:v51+s22+$0x0] =	vst.idx.msk $0xffff, v54  }
0x6a: {  	s30 =	simm.s32 $0x3A0;
	s20 =	simm.s32 $0x100;
	s23 =	simm.s32 $0x400;
	v49 =	vmov s28;
	v55 =	vor.u32 v3, v58;
	v58 =	vor.u32 v3, v57;
	v54 =	vld.idx.msk [tilespmem:v60+s17+$0x0], $0xffff;
	[tilespmem:v61+s22+$0x0] =	vst.idx.msk $0xffff, v59  }
0x6b: {  	s25 =	sand.u32 $0x3000, s23;
	s19 =	simm.s32 $0xC;
	s18 =	simm.s32 $0x4;
	v51 =	vor.u32 v7, v40;
	v61 =	vand.u32 $0x7E, v49;
	v49 =	vbroadcast v42, $0x0;
	[tilespmem:v63+s22+$0x0] =	vst.idx.msk $0xffff, v62;
	v56 =	vld [tilespmem:s0+$0x10]  }
0x6c: {  	s24 =	simm.s32 $0x3;
	s1 =	simm.s32 $0x8;
	s26 =	sand.u32 $0x380, s20;
	v42 =	vbroadcast v61, $0x0;
	[tilespmem:v11+s22+$0x0] =	vst.idx.msk $0xffff, v10;
	v57 =	vld [tilespmem:s0+$0x50];
	v10 =	vmovc v4;
	v4 =	vmovc v0;
	v11 =	vmov v6;
	v6 =	vmov v1  }
.LBB2_2:
0x6d: {  	p0 =	slt.u32 s19, $0x7C  }
0x6e: {  	v59 =	vmov s24;
	s25 =	sor.u32 s26, s25;
	v60 =	vmov s18;
	[tilespmem:s31+$0x8220] =	vst v41;
	v61 =	vor.u32 v2, v49;
	v62 =	vld [tilespmem:s0+$0xFFFFFFD0];
	v41 =	vmovc v47;
	s26 =	smov.u32 s19;
	s19 =	sadd.s32 $0x4, s19  }
0x6f: {  	v47 =	vand.u32 $0x1F, v59;
	[tilespmem:s25+$0x8240] =	vst v53;
	v53 =	vand.u32 $0x7C, v60;
	v59 =	vor.u32 v2, v42;
	v60 =	vld [tilespmem:s0+$0xFFFFFF90];
	s0 =	smov.u32 s30  }
0x70: {  	v48 =	vor.u32 v3, v48;
	v47 =	vbroadcast v47, $0x0;
	[tilespmem:s31+$0x8210] =	vst v52;
	v63 =	vbroadcast v53, $0x0;
	v50 =	vld.idx.msk [tilespmem:v50+s17+$0x0], $0xffff  }
0x71: {  	v0 =	vor.u32 v10, v40;
	v52 =	vld.idx.msk [tilespmem:v46+s17+$0x0], $0xffff;
	[tilespmem:s31+$0x8270] =	vst v54  }
0x72: {  	v46 =	vor.u32 v4, v47;
	v53 =	vor.u32 v5, v47;
	v51 =	vld.idx.msk [tilespmem:v51+s17+$0x0], $0xffff;
	[tilespmem:v58+s22+$0x0] =	vst.idx.msk $0xffff, v56  }
0x73: {  	s28 =	sadd.s32 $0x1, s18;
	s18 =	smov.u32 s1;
	s1 =	smov.u32 s26;
	v54 =	vor.u32 v6, v47;
	v56 =	vor.u32 v2, v63;
	v58 =	vld [tilespmem:s30+$0x40];
	[tilespmem:v44+s22+$0x0] =	vst.idx.msk $0xffff, v57  }
0x74: {  	v1 =	vmov s28;
	v44 =	vor.u32 v3, v49;
	v57 =	vld.idx.msk [tilespmem:v45+s17+$0x0], $0xffff;
	[tilespmem:v55+s22+$0x0] =	vst.idx.msk $0xffff, v60  }
0x75: {  	v1 =	vand.u32 $0x7D, v1;
	v45 =	vor.u32 v8, v47;
	v49 =	vld [tilespmem:s30+$0x0];
	[tilespmem:v48+s22+$0x0] =	vst.idx.msk $0xffff, v62  }
0x76: {  	v48 =	vbroadcast v1, $0x0;
	s30 =	sadd.s32 $0x100, s30;
	v55 =	vld [tilespmem:s0+$0xFFFFFF80];
	[tilespmem:s31+$0x8230] =	vst v50;
	s31 =	smov.u32 s25  }
0x77: {  	v50 =	vor.u32 v11, v40;
	v40 =	vmov v47;
	[tilespmem:s31+$0x8200] =	vst v52;
	v1 =	vld [tilespmem:s0+$0xFFFFFFC0]  }
0x78: {  	v60 =	vor.u32 v2, v48;
	v47 =	vld.idx.msk [tilespmem:v54+s17+$0x0], $0xffff;
	[tilespmem:v61+s22+$0x0] =	vst.idx.msk $0xffff, v58  }
.Ltmp0:
0x79: {  	s25 =	sadd.s32 $0x3, s18;
	v53 =	vld.idx.msk [tilespmem:v53+s17+$0x0], $0xffff;
	[tilespmem:s31+$0x8250] =	vst v51;
	(pc) =	sbr.rel @p0 .LBB2_2-.Ltmp0, $4  }
0x7a: {  	s20 =	sadd.s32 $0x80, s20;
	s23 =	sadd.s32 $0x200, s23;
	s26 =	sadd.s32 $0x2, s18;
	v52 =	vld.idx.msk [tilespmem:v0+s17+$0x0], $0xffff;
	[tilespmem:s31+$0x8260] =	vst v57;
	v0 =	vmov s25  }
0x7b: {  	v51 =	vor.u32 v7, v40;
	v57 =	vmov s26;
	v54 =	vld.idx.msk [tilespmem:v43+s17+$0x0], $0xffff;
	v0 =	vand.u32 $0x7F, v0;
	[tilespmem:v59+s22+$0x0] =	vst.idx.msk $0xffff, v49  }
0x7c: {  	v43 =	vor.u32 v9, v40;
	v57 =	vand.u32 $0x7E, v57;
	v49 =	vbroadcast v0, $0x0;
	[tilespmem:v56+s22+$0x0] =	vst.idx.msk $0xffff, v55;
	v56 =	vld [tilespmem:s0+$0x10]  }
0x7d: {  	s24 =	sadd.s32 $0x1, s24;
	v58 =	vor.u32 v3, v42;
	s25 =	sand.u32 $0x3000, s23;
	s26 =	sand.u32 $0x380, s20;
	v55 =	vor.u32 v3, v63;
	v42 =	vbroadcast v57, $0x0;
	[tilespmem:v60+s22+$0x0] =	vst.idx.msk $0xffff, v1;
	v57 =	vld [tilespmem:s0+$0x50]  }
0x7e: {  	s19 =	sor.u32 s26, s25;
	[tilespmem:s31+$0x8220] =	vst v41  }
0x7f: {  	[tilespmem:s19+$0x8240] =	vst v53  }
0x80: {  	v0 =	vld [tilespmem:s0+$0xFFFFFF90];
	[tilespmem:s31+$0x8210] =	vst v52  }
0x81: {  	v1 =	vld [tilespmem:s0+$0xFFFFFFD0];
	v63 =	vor.u32 v3, v48;
	[tilespmem:s19+$0x8220] =	vst v47  }
0x82: {  	v45 =	vld.idx.msk [tilespmem:v45+s17+$0x0], $0xffff;
	[tilespmem:s31+$0x8270] =	vst v54  }
0x83: {  	v9 =	vld.idx.msk [tilespmem:v50+s17+$0x0], $0xffff;
	[tilespmem:v58+s22+$0x0] =	vst.idx.msk $0xffff, v56  }
0x84: {  	v46 =	vld.idx.msk [tilespmem:v46+s17+$0x0], $0xffff;
	s25 =	sadd.s32 $0x1, s18;
	[tilespmem:v44+s22+$0x0] =	vst.idx.msk $0xffff, v57  }
0x85: {  	v62 =	vld [tilespmem:s30+$0x0];
	v50 =	vor.u32 v2, v49;
	v59 =	vmov s25;
	v61 =	vor.u32 v2, v42;
	[tilespmem:v55+s22+$0x0] =	vst.idx.msk $0xffff, v0  }
0x86: {  	v60 =	vand.u32 $0x7D, v59;
	v52 =	vld [tilespmem:s30+$0x40];
	v58 =	vmov s18;
	[tilespmem:v63+s22+$0x0] =	vst.idx.msk $0xffff, v1;
	v1 =	vor.u32 v10, v40  }
0x87: {  	v41 =	vbroadcast v60, $0x0;
	v44 =	vld.idx.msk [tilespmem:v51+s17+$0x0], $0xffff;
	v0 =	vand.u32 $0x7C, v58;
	v63 =	vor.u32 v11, v40;
	[tilespmem:s19+$0x8260] =	vst v45  }
0x88: {  	v0 =	vbroadcast v0, $0x0;
	[tilespmem:s31+$0x8230] =	vst v9;
	v43 =	vld.idx.msk [tilespmem:v43+s17+$0x0], $0xffff  }
0x89: {  	s28 =	sadd.s32 $0x2, s1;
	[tilespmem:s19+$0x8200] =	vst v46;
	v58 =	vor.u32 v2, v41;
	v57 =	vld [tilespmem:s30+$0xFFFFFFC0]  }
0x8a: {  	v56 =	vld [tilespmem:s30+$0xFFFFFF80];
	v60 =	vmov s28;
	[tilespmem:v61+s22+$0x0] =	vst.idx.msk $0xffff, v62;
	v9 =	vor.u32 v2, v0  }
0x8b: {  	s26 =	sadd.s32 $0x3, s1;
	v45 =	vand.u32 $0x7E, v60;
	[tilespmem:v50+s22+$0x0] =	vst.idx.msk $0xffff, v52;
	v1 =	vld.idx.msk [tilespmem:v1+s17+$0x0], $0xffff  }
0x8c: {  	v47 =	vor.u32 v3, v49;
	v59 =	vmov s26;
	v45 =	vbroadcast v45, $0x0;
	[tilespmem:s19+$0x8250] =	vst v44;
	v40 =	vld.idx.msk [tilespmem:v63+s17+$0x0], $0xffff  }
0x8d: {  	s20 =	sadd.s32 $0x1, s1;
	v61 =	vor.u32 v3, v42;
	v62 =	vmov s1;
	v46 =	vld [tilespmem:s30+$0x10];
	v44 =	vand.u32 $0x7F, v59;
	[tilespmem:s19+$0x8270] =	vst v43  }
0x8e: {  	s23 =	sadd.s32 $0x100, s30;
	v48 =	vand.u32 $0x7C, v62;
	v49 =	vld [tilespmem:s30+$0x50];
	v44 =	vbroadcast v44, $0x0;
	v63 =	vmov s20;
	[tilespmem:v58+s22+$0x0] =	vst.idx.msk $0xffff, v57  }
0x8f: {  	v48 =	vbroadcast v48, $0x0;
	v57 =	vld [tilespmem:s23+$0x0];
	[tilespmem:v9+s22+$0x0] =	vst.idx.msk $0xffff, v56;
	v9 =	vor.u32 v2, v45;
	v56 =	vand.u32 $0x7D, v63  }
0x90: {  	v58 =	vor.u32 v2, v44;
	v43 =	vbroadcast v56, $0x0;
	[tilespmem:s19+$0x8210] =	vst v1;
	v1 =	vld [tilespmem:s23+$0x40]  }
0x91: {  	v59 =	vor.u32 v2, v48;
	[tilespmem:s19+$0x8230] =	vst v40;
	v60 =	vld [tilespmem:s23+$0xFFFFFF80]  }
0x92: {  	[tilespmem:v61+s22+$0x0] =	vst.idx.msk $0xffff, v46;
	v40 =	vld [tilespmem:s23+$0xFFFFFFC0];
	v61 =	vor.u32 v2, v43  }
0x93: {  	v0 =	vor.u32 v3, v0;
	v62 =	vld [tilespmem:s30+$0xFFFFFF90];
	[tilespmem:v47+s22+$0x0] =	vst.idx.msk $0xffff, v49  }
0x94: {  	v41 =	vor.u32 v3, v41;
	v63 =	vld [tilespmem:s30+$0xFFFFFFD0];
	[tilespmem:v9+s22+$0x0] =	vst.idx.msk $0xffff, v57  }
0x95: {  	v45 =	vor.u32 v3, v45;
	[tilespmem:v58+s22+$0x0] =	vst.idx.msk $0xffff, v1;
	v1 =	vld [tilespmem:s23+$0x10]  }
0x96: {  	v44 =	vor.u32 v3, v44;
	[tilespmem:v59+s22+$0x0] =	vst.idx.msk $0xffff, v60;
	v9 =	vld [tilespmem:s23+$0x50]  }
0x97: {  	v48 =	vor.u32 v3, v48;
	[tilespmem:v61+s22+$0x0] =	vst.idx.msk $0xffff, v40;
	v52 =	vld [tilespmem:s23+$0xFFFFFF90]  }
0x98: {  	v53 =	vor.u32 v3, v43;
	[tilespmem:v0+s22+$0x0] =	vst.idx.msk $0xffff, v62;
	v0 =	vld [tilespmem:s23+$0xFFFFFFD0]  }
0x99: {  	[tilespmem:v41+s22+$0x0] =	vst.idx.msk $0xffff, v63  }
0x9a: {  	[tilespmem:v45+s22+$0x0] =	vst.idx.msk $0xffff, v1  }
0x9b: {  	[tilespmem:v44+s22+$0x0] =	vst.idx.msk $0xffff, v9  }
0x9c: {  	[tilespmem:v48+s22+$0x0] =	vst.idx.msk $0xffff, v52  }
0x9d: {  	s1 =	simm.s32 $0x0;
	[tilespmem:v53+s22+$0x0] =	vst.idx.msk $0xffff, v0  }
0x9e: {  	[hbm4b:s6+s1] =	stream.linear.scatter [tilespmem:s22], [sflag:$0x2], $0x400, $0x38;
	[tilespmem:$0x10200] =	vst v63  }
0x9f: {  	s24 =	sadd.s32 $0x4000, s6;
	s25 =	simm.s32 $0x9200  }
0xa0: {  	[hbm4b:s24+s1] =	stream.linear.scatter [tilespmem:s25], [sflag:$0x2], $0x400, $0x38;
	[tilespmem:$0x10200] =	vst v63  }
0xa1: {  	s26 =	sadd.s32 $0x8000, s6;
	s28 =	simm.s32 $0xA200  }
0xa2: {  	[hbm4b:s26+s1] =	stream.linear.scatter [tilespmem:s28], [sflag:$0x2], $0x400, $0x38;
	[tilespmem:$0x10200] =	vst v63  }
0xa3: {  	s18 =	sadd.s32 $0xC000, s6;
	s19 =	simm.s32 $0xB200  }
0xa4: {  	[hbm4b:s18+s1] =	stream.linear.scatter [tilespmem:s19], [sflag:$0x2], $0x400, $0x38;
	[tilespmem:$0x10200] =	vst v63  }
0xa5: {  	s20 =	sadd.s32 $0x10000, s6;
	s23 =	simm.s32 $0xC200  }
0xa6: {  	[hbm4b:s20+s1] =	stream.linear.scatter [tilespmem:s23], [sflag:$0x2], $0x400, $0x38;
	[tilespmem:$0x10200] =	vst v63  }
0xa7: {  	v0 =	vmov s1;
	s24 =	sadd.s32 $0x14000, s6;
	s25 =	simm.s32 $0xD200  }
0xa8: {  	v0 =	vand.u32 $0x1F, v0;
	[hbm4b:s24+s1] =	stream.linear.scatter [tilespmem:s25], [sflag:$0x2], $0x400, $0x38;
	[tilespmem:$0x10200] =	vst v63  }
0xa9: {  	v0 =	vbroadcast v0, $0x0;
	s26 =	sadd.s32 $0x18000, s6;
	s28 =	simm.s32 $0xE200  }
0xaa: {  	[hbm4b:s26+s1] =	stream.linear.scatter [tilespmem:s28], [sflag:$0x2], $0x400, $0x38;
	[tilespmem:$0x10200] =	vst v63  }
0xab: {  	v1 =	vor.u32 v16, v0;
	s19 =	sadd.s32 $0x1C000, s6;
	s20 =	simm.s32 $0xF200  }
0xac: {  	[hbm4b:s19+s1] =	stream.linear.scatter [tilespmem:s20], [sflag:$0x2], $0x400, $0x38;
	[tilespmem:$0x10200] =	vst v63  }
0xad: {  	_ =	swait.ge [sflag:s21], $0x2000  }
0xae: {  	[sflag:s21] =	ssyncset.done $0x0  }
0xaf: {  	v5 =	vld [tilespmem:$0x1FF80];
	[sflag:s21] =	ssyncadd.s32 $0xFFFFE000  }
0xb0: {  	v1 =	vld.idx.msk [tilespmem:v1+s17+$0x0], $0xffff  }
0xb1: {  	s23 =	simm.s32 $0x1  }
0xb2: {  	v55 =	vmov s23  }
0xb3: {  	v54 =	vor.u32 v18, v0;
	v41 =	vand.u32 $0x1F, v55;
	s24 =	sand.u32 $0x3000, s1;
	s25 =	sand.u32 $0x380, s1  }
0xb4: {  	v57 =	vor.u32 v14, v0;
	v49 =	vbroadcast v41, $0x0;
	s18 =	sor.u32 s25, s24  }
0xb5: {  	v56 =	vor.u32 v5, v0;
	[tilespmem:s18+$0x8640] =	vst v1  }
0xb6: {  	v59 =	vor.u32 v16, v49;
	v7 =	vld [tilespmem:$0x1FF90]  }
0xb7: {  	v61 =	vor.u32 v14, v49  }
0xb8: {  	v58 =	vor.u32 v17, v0;
	v40 =	vld.idx.msk [tilespmem:v54+s17+$0x0], $0xffff  }
0xb9: {  	v60 =	vor.u32 v19, v0;
	v43 =	vld.idx.msk [tilespmem:v57+s17+$0x0], $0xffff  }
0xba: {  	v62 =	vor.u32 v5, v49;
	v42 =	vld.idx.msk [tilespmem:v56+s17+$0x0], $0xffff  }
0xbb: {  	v44 =	vld.idx.msk [tilespmem:v59+s17+$0x0], $0xffff;
	v1 =	vor.u32 v7, v0  }
0xbc: {  	s23 =	simm.s32 $0x2;
	s26 =	simm.s32 $0x3;
	v41 =	vld.idx.msk [tilespmem:v61+s17+$0x0], $0xffff;
	v0 =	vor.u32 v15, v0  }
0xbd: {  	v63 =	vor.u32 v17, v49;
	v59 =	vmov s23;
	v47 =	vld.idx.msk [tilespmem:v58+s17+$0x0], $0xffff;
	[tilespmem:s18+$0x8660] =	vst v40;
	v58 =	vmov s26  }
0xbe: {  	s28 =	simm.s32 $0x200;
	s20 =	simm.s32 $0x80;
	v46 =	vand.u32 $0x1F, v59;
	v45 =	vld.idx.msk [tilespmem:v60+s17+$0x0], $0xffff;
	v40 =	vand.u32 $0x7F, v58  }
0xbf: {  	s24 =	simm.s32 $0x2;
	s19 =	sand.u32 $0x3000, s28;
	s20 =	sand.u32 $0x380, s20;
	v51 =	vbroadcast v40, $0x0;
	v40 =	vbroadcast v46, $0x0;
	v61 =	vld.idx.msk [tilespmem:v62+s17+$0x0], $0xffff;
	[tilespmem:s18+$0x8600] =	vst v42  }
0xc0: {  	v9 =	vor.u32 v18, v49;
	s31 =	sor.u32 s20, s19;
	[tilespmem:s18+$0x8620] =	vst v43;
	v60 =	vmov s24;
	v1 =	vld.idx.msk [tilespmem:v1+s17+$0x0], $0xffff  }
0xc1: {  	[tilespmem:s31+$0x8640] =	vst v44;
	v43 =	vand.u32 $0x7E, v60;
	v50 =	vor.u32 v14, v40;
	v0 =	vld.idx.msk [tilespmem:v0+s17+$0x0], $0xffff  }
0xc2: {  	s0 =	simm.s32 $0x22F0;
	s25 =	simm.s32 $0x1;
	v57 =	vbroadcast v43, $0x0;
	v43 =	vld.idx.msk [tilespmem:v63+s17+$0x0], $0xffff;
	[tilespmem:s18+$0x8650] =	vst v47  }
0xc3: {  	v62 =	vmov s1;
	v63 =	vmov s25;
	[tilespmem:s18+$0x8670] =	vst v45;
	v55 =	vld [tilespmem:s0+$0xFFFFFFB0]  }
0xc4: {  	v46 =	vor.u32 v12, v51;
	v53 =	vor.u32 v16, v40;
	v63 =	vand.u32 $0x7D, v63;
	v52 =	vld [tilespmem:s0+$0xFFFFFFF0]  }
0xc5: {  	v48 =	vbroadcast v63, $0x0;
	v45 =	vand.u32 $0x7C, v62;
	v42 =	vld.idx.msk [tilespmem:v9+s17+$0x0], $0xffff;
	v9 =	vor.u32 v7, v49;
	[tilespmem:s18+$0x8610] =	vst v1  }
0xc6: {  	v56 =	vor.u32 v19, v49;
	v58 =	vor.u32 v12, v57;
	v47 =	vld.idx.msk [tilespmem:v50+s17+$0x0], $0xffff;
	v1 =	vbroadcast v45, $0x0;
	[tilespmem:s18+$0x8630] =	vst v0  }
0xc7: {  	[tilespmem:s31+$0x8600] =	vst v61;
	v61 =	vor.u32 v12, v48;
	v60 =	vld [tilespmem:s0+$0xFFFFFF70]  }
0xc8: {  	[tilespmem:s31+$0x8650] =	vst v43;
	v59 =	vld [tilespmem:s0+$0xFFFFFF30];
	v0 =	vor.u32 v12, v1  }
0xc9: {  	s28 =	simm.s32 $0x6;
	s26 =	simm.s32 $0x7;
	v44 =	vor.u32 v13, v51;
	v51 =	vor.u32 v17, v40;
	v53 =	vld.idx.msk [tilespmem:v53+s17+$0x0], $0xffff;
	[tilespmem:v46+s22+$0x0] =	vst.idx.msk $0xffff, v52  }
0xca: {  	v4 =	vmovc v10;
	v6 =	vmovc v11;
	v62 =	vmov s28;
	v43 =	vor.u32 v19, v40;
	v52 =	vld.idx.msk [tilespmem:v9+s17+$0x0], $0xffff;
	[tilespmem:s31+$0x8660] =	vst v42;
	v9 =	vmov s26  }
0xcb: {  	s30 =	simm.s32 $0x23F0;
	s19 =	simm.s32 $0xC;
	s20 =	simm.s32 $0x400;
	v63 =	vand.u32 $0x7E, v62;
	v50 =	vor.u32 v15, v49;
	[tilespmem:v58+s22+$0x0] =	vst.idx.msk $0xffff, v55;
	v54 =	vld.idx.msk [tilespmem:v56+s17+$0x0], $0xffff;
	v42 =	vand.u32 $0x7F, v9  }
0xcc: {  	s23 =	simm.s32 $0x100;
	s24 =	simm.s32 $0x3;
	s1 =	simm.s32 $0x8;
	v58 =	vor.u32 v13, v57;
	v46 =	vor.u32 v5, v40;
	v56 =	vld [tilespmem:s0+$0xFFFFFFC0];
	v49 =	vbroadcast v42, $0x0;
	[tilespmem:v61+s22+$0x0] =	vst.idx.msk $0xffff, v60  }
0xcd: {  	s25 =	sand.u32 $0x3000, s20;
	s26 =	sand.u32 $0x380, s23;
	v57 =	vld [tilespmem:s0+$0x0];
	v42 =	vbroadcast v63, $0x0;
	v45 =	vor.u32 v18, v40;
	s18 =	simm.s32 $0x4;
	v55 =	vor.u32 v13, v1;
	[tilespmem:v0+s22+$0x0] =	vst.idx.msk $0xffff, v59  }
.LBB2_4:
0xce: {  	p0 =	slt.u32 s19, $0x7C  }
0xcf: {  	v0 =	vmov s24;
	s25 =	sor.u32 s26, s25;
	v1 =	vmov s18;
	[tilespmem:s31+$0x8620] =	vst v41;
	v59 =	vor.u32 v12, v49;
	v60 =	vld [tilespmem:s0+$0xFFFFFF80];
	v41 =	vmovc v47;
	s26 =	smov.u32 s19;
	s19 =	sadd.s32 $0x4, s19  }
0xd0: {  	v0 =	vand.u32 $0x1F, v0;
	[tilespmem:s25+$0x8640] =	vst v53;
	v1 =	vand.u32 $0x7C, v1;
	v61 =	vor.u32 v12, v42;
	v47 =	vld [tilespmem:s0+$0xFFFFFF40];
	s0 =	smov.u32 s30  }
0xd1: {  	v48 =	vor.u32 v13, v48;
	v0 =	vbroadcast v0, $0x0;
	[tilespmem:s31+$0x8610] =	vst v52;
	v1 =	vbroadcast v1, $0x0;
	v50 =	vld.idx.msk [tilespmem:v50+s17+$0x0], $0xffff  }
0xd2: {  	v62 =	vor.u32 v7, v40;
	v52 =	vld.idx.msk [tilespmem:v46+s17+$0x0], $0xffff;
	[tilespmem:s31+$0x8670] =	vst v54  }
0xd3: {  	v46 =	vor.u32 v5, v0;
	v53 =	vor.u32 v16, v0;
	v51 =	vld.idx.msk [tilespmem:v51+s17+$0x0], $0xffff;
	[tilespmem:v58+s22+$0x0] =	vst.idx.msk $0xffff, v56  }
0xd4: {  	s28 =	sadd.s32 $0x1, s18;
	s18 =	smov.u32 s1;
	s1 =	smov.u32 s26;
	v54 =	vor.u32 v14, v0;
	v56 =	vor.u32 v12, v1;
	v58 =	vld [tilespmem:s30+$0xFFFFFFF0];
	[tilespmem:v44+s22+$0x0] =	vst.idx.msk $0xffff, v57  }
0xd5: {  	v63 =	vmov s28;
	v44 =	vor.u32 v13, v49;
	v57 =	vld.idx.msk [tilespmem:v45+s17+$0x0], $0xffff;
	[tilespmem:v55+s22+$0x0] =	vst.idx.msk $0xffff, v47  }
0xd6: {  	v45 =	vor.u32 v18, v0;
	v47 =	vand.u32 $0x7D, v63;
	v49 =	vld [tilespmem:s30+$0xFFFFFFB0];
	[tilespmem:v48+s22+$0x0] =	vst.idx.msk $0xffff, v60  }
0xd7: {  	v48 =	vbroadcast v47, $0x0;
	s30 =	sadd.s32 $0x100, s30;
	v55 =	vld [tilespmem:s0+$0xFFFFFF30];
	[tilespmem:s31+$0x8630] =	vst v50;
	s31 =	smov.u32 s25  }
0xd8: {  	v50 =	vor.u32 v15, v40;
	v40 =	vmov v0;
	[tilespmem:s31+$0x8600] =	vst v52;
	v60 =	vld [tilespmem:s0+$0xFFFFFF70]  }
0xd9: {  	v0 =	vor.u32 v12, v48;
	v47 =	vld.idx.msk [tilespmem:v54+s17+$0x0], $0xffff;
	[tilespmem:v59+s22+$0x0] =	vst.idx.msk $0xffff, v58  }
.Ltmp1:
0xda: {  	s25 =	sadd.s32 $0x3, s18;
	v53 =	vld.idx.msk [tilespmem:v53+s17+$0x0], $0xffff;
	[tilespmem:s31+$0x8650] =	vst v51;
	(pc) =	sbr.rel @p0 .LBB2_4-.Ltmp1, $4  }
0xdb: {  	s20 =	sadd.s32 $0x200, s20;
	s23 =	sadd.s32 $0x80, s23;
	s26 =	sadd.s32 $0x2, s18;
	v52 =	vld.idx.msk [tilespmem:v62+s17+$0x0], $0xffff;
	[tilespmem:s31+$0x8660] =	vst v57;
	v57 =	vmov s25  }
0xdc: {  	v58 =	vmov s26;
	v51 =	vor.u32 v17, v40;
	v54 =	vld.idx.msk [tilespmem:v43+s17+$0x0], $0xffff;
	v57 =	vand.u32 $0x7F, v57;
	[tilespmem:v61+s22+$0x0] =	vst.idx.msk $0xffff, v49  }
0xdd: {  	v59 =	vand.u32 $0x7E, v58;
	v43 =	vor.u32 v19, v40;
	v49 =	vbroadcast v57, $0x0;
	[tilespmem:v56+s22+$0x0] =	vst.idx.msk $0xffff, v55;
	v56 =	vld [tilespmem:s0+$0xFFFFFFC0]  }
0xde: {  	s24 =	sadd.s32 $0x1, s24;
	s26 =	sand.u32 $0x380, s23;
	v58 =	vor.u32 v13, v42;
	s25 =	sand.u32 $0x3000, s20;
	v42 =	vbroadcast v59, $0x0;
	v55 =	vor.u32 v13, v1;
	[tilespmem:v0+s22+$0x0] =	vst.idx.msk $0xffff, v60;
	v57 =	vld [tilespmem:s0+$0x0]  }
0xdf: {  	s19 =	sor.u32 s26, s25;
	[tilespmem:s31+$0x8620] =	vst v41  }
0xe0: {  	[tilespmem:s19+$0x8640] =	vst v53  }
0xe1: {  	v0 =	vld [tilespmem:s0+$0xFFFFFF40];
	[tilespmem:s31+$0x8610] =	vst v52  }
0xe2: {  	v1 =	vld [tilespmem:s0+$0xFFFFFF80];
	v62 =	vor.u32 v13, v48;
	[tilespmem:s19+$0x8620] =	vst v47  }
0xe3: {  	v45 =	vld.idx.msk [tilespmem:v45+s17+$0x0], $0xffff;
	[tilespmem:s31+$0x8670] =	vst v54  }
0xe4: {  	v63 =	vld.idx.msk [tilespmem:v50+s17+$0x0], $0xffff;
	[tilespmem:v58+s22+$0x0] =	vst.idx.msk $0xffff, v56  }
0xe5: {  	v46 =	vld.idx.msk [tilespmem:v46+s17+$0x0], $0xffff;
	s25 =	sadd.s32 $0x1, s18;
	[tilespmem:v44+s22+$0x0] =	vst.idx.msk $0xffff, v57  }
0xe6: {  	v61 =	vld [tilespmem:s30+$0xFFFFFFB0];
	v50 =	vor.u32 v12, v49;
	v59 =	vmov s25;
	v48 =	vor.u32 v12, v42;
	[tilespmem:v55+s22+$0x0] =	vst.idx.msk $0xffff, v0  }
0xe7: {  	v60 =	vand.u32 $0x7D, v59;
	v52 =	vld [tilespmem:s30+$0xFFFFFFF0];
	v58 =	vmov s18;
	[tilespmem:v62+s22+$0x0] =	vst.idx.msk $0xffff, v1;
	v1 =	vor.u32 v7, v40  }
0xe8: {  	v41 =	vbroadcast v60, $0x0;
	v44 =	vld.idx.msk [tilespmem:v51+s17+$0x0], $0xffff;
	v0 =	vand.u32 $0x7C, v58;
	v62 =	vor.u32 v15, v40;
	[tilespmem:s19+$0x8660] =	vst v45  }
0xe9: {  	v0 =	vbroadcast v0, $0x0;
	[tilespmem:s31+$0x8630] =	vst v63;
	v43 =	vld.idx.msk [tilespmem:v43+s17+$0x0], $0xffff  }
0xea: {  	s28 =	sadd.s32 $0x2, s1;
	[tilespmem:s19+$0x8600] =	vst v46;
	v58 =	vor.u32 v12, v41;
	v57 =	vld [tilespmem:s30+$0xFFFFFF70]  }
0xeb: {  	v56 =	vld [tilespmem:s30+$0xFFFFFF30];
	v60 =	vmov s28;
	[tilespmem:v48+s22+$0x0] =	vst.idx.msk $0xffff, v61;
	v63 =	vor.u32 v12, v0  }
0xec: {  	s26 =	sadd.s32 $0x3, s1;
	s18 =	sadd.s32 $0x1, s1;
	v45 =	vand.u32 $0x7E, v60;
	[tilespmem:v50+s22+$0x0] =	vst.idx.msk $0xffff, v52;
	v1 =	vld.idx.msk [tilespmem:v1+s17+$0x0], $0xffff  }
0xed: {  	v59 =	vmov s26;
	v55 =	vmov s18;
	v45 =	vbroadcast v45, $0x0;
	[tilespmem:s19+$0x8650] =	vst v44;
	v40 =	vld.idx.msk [tilespmem:v62+s17+$0x0], $0xffff  }
0xee: {  	s20 =	sadd.s32 $0x100, s30;
	v61 =	vor.u32 v13, v42;
	v46 =	vld [tilespmem:s30+$0xFFFFFFC0];
	v44 =	vand.u32 $0x7F, v59;
	v62 =	vmov s1;
	[tilespmem:s19+$0x8670] =	vst v43  }
0xef: {  	v51 =	vor.u32 v12, v45;
	v44 =	vbroadcast v44, $0x0;
	v48 =	vand.u32 $0x7C, v62;
	[tilespmem:v58+s22+$0x0] =	vst.idx.msk $0xffff, v57;
	v57 =	vld [tilespmem:s20+$0xFFFFFFB0]  }
0xf0: {  	v47 =	vor.u32 v13, v49;
	v48 =	vbroadcast v48, $0x0;
	[tilespmem:v63+s22+$0x0] =	vst.idx.msk $0xffff, v56;
	v63 =	vld [tilespmem:s30+$0x0];
	v56 =	vand.u32 $0x7D, v55  }
0xf1: {  	v58 =	vor.u32 v12, v44;
	v43 =	vbroadcast v56, $0x0;
	[tilespmem:s19+$0x8610] =	vst v1;
	v1 =	vld [tilespmem:s20+$0xFFFFFFF0]  }
0xf2: {  	v59 =	vor.u32 v12, v48;
	[tilespmem:s19+$0x8630] =	vst v40;
	v60 =	vld [tilespmem:s20+$0xFFFFFF30]  }
0xf3: {  	[tilespmem:v61+s22+$0x0] =	vst.idx.msk $0xffff, v46;
	v40 =	vld [tilespmem:s20+$0xFFFFFF70];
	v61 =	vor.u32 v12, v43  }
0xf4: {  	v0 =	vor.u32 v13, v0;
	v62 =	vld [tilespmem:s30+$0xFFFFFF40];
	[tilespmem:v51+s22+$0x0] =	vst.idx.msk $0xffff, v57  }
0xf5: {  	v41 =	vor.u32 v13, v41;
	[tilespmem:v47+s22+$0x0] =	vst.idx.msk $0xffff, v63;
	v63 =	vld [tilespmem:s30+$0xFFFFFF80]  }
0xf6: {  	v45 =	vor.u32 v13, v45;
	[tilespmem:v58+s22+$0x0] =	vst.idx.msk $0xffff, v1;
	v1 =	vld [tilespmem:s20+$0xFFFFFFC0]  }
0xf7: {  	v44 =	vor.u32 v13, v44;
	[tilespmem:v59+s22+$0x0] =	vst.idx.msk $0xffff, v60;
	v55 =	vld [tilespmem:s20+$0x0]  }
0xf8: {  	v48 =	vor.u32 v13, v48;
	[tilespmem:v61+s22+$0x0] =	vst.idx.msk $0xffff, v40;
	v56 =	vld [tilespmem:s20+$0xFFFFFF40]  }
0xf9: {  	v57 =	vor.u32 v13, v43;
	[tilespmem:v0+s22+$0x0] =	vst.idx.msk $0xffff, v62;
	v0 =	vld [tilespmem:s20+$0xFFFFFF80]  }
0xfa: {  	[tilespmem:v41+s22+$0x0] =	vst.idx.msk $0xffff, v63  }
0xfb: {  	[tilespmem:v45+s22+$0x0] =	vst.idx.msk $0xffff, v1  }
0xfc: {  	[tilespmem:v44+s22+$0x0] =	vst.idx.msk $0xffff, v55  }
0xfd: {  	[tilespmem:v48+s22+$0x0] =	vst.idx.msk $0xffff, v56  }
0xfe: {  	s23 =	simm.s32 $0x8600;
	s1 =	simm.s32 $0x0;
	[tilespmem:v57+s22+$0x0] =	vst.idx.msk $0xffff, v0  }
0xff: {  	[hbm4b:s9+s1] =	stream.linear.scatter [tilespmem:s23], [sflag:$0x2], $0x400, $0x38;
	[tilespmem:$0x10200] =	vst v63  }
0x100: {  	s24 =	sadd.s32 $0x4000, s9;
	s25 =	simm.s32 $0x9600  }
0x101: {  	[hbm4b:s24+s1] =	stream.linear.scatter [tilespmem:s25], [sflag:$0x2], $0x400, $0x38;
	[tilespmem:$0x10200] =	vst v63  }
0x102: {  	s26 =	sadd.s32 $0x8000, s9;
	s28 =	simm.s32 $0xA600  }
0x103: {  	[hbm4b:s26+s1] =	stream.linear.scatter [tilespmem:s28], [sflag:$0x2], $0x400, $0x38;
	[tilespmem:$0x10200] =	vst v63  }
0x104: {  	s18 =	sadd.s32 $0xC000, s9;
	s19 =	simm.s32 $0xB600  }
0x105: {  	[hbm4b:s18+s1] =	stream.linear.scatter [tilespmem:s19], [sflag:$0x2], $0x400, $0x38;
	[tilespmem:$0x10200] =	vst v63  }
0x106: {  	s20 =	sadd.s32 $0x10000, s9;
	s23 =	simm.s32 $0xC600  }
0x107: {  	[hbm4b:s20+s1] =	stream.linear.scatter [tilespmem:s23], [sflag:$0x2], $0x400, $0x38;
	[tilespmem:$0x10200] =	vst v63  }
0x108: {  	v0 =	vmov s1;
	s24 =	sadd.s32 $0x14000, s9;
	s25 =	simm.s32 $0xD600  }
0x109: {  	v0 =	vand.u32 $0x1F, v0;
	[hbm4b:s24+s1] =	stream.linear.scatter [tilespmem:s25], [sflag:$0x2], $0x400, $0x38;
	[tilespmem:$0x10200] =	vst v63  }
0x10a: {  	v0 =	vbroadcast v0, $0x0;
	s26 =	sadd.s32 $0x18000, s9;
	s28 =	simm.s32 $0xE600  }
0x10b: {  	[hbm4b:s26+s1] =	stream.linear.scatter [tilespmem:s28], [sflag:$0x2], $0x400, $0x38;
	[tilespmem:$0x10200] =	vst v63  }
0x10c: {  	v1 =	vor.u32 v26, v0;
	s19 =	sadd.s32 $0x1C000, s9;
	s20 =	simm.s32 $0xF600;
	s23 =	simm.s32 $0x1  }
0x10d: {  	v59 =	vmov s23;
	[hbm4b:s19+s1] =	stream.linear.scatter [tilespmem:s20], [sflag:$0x2], $0x400, $0x38;
	[tilespmem:$0x10200] =	vst v63  }
0x10e: {  	v58 =	vor.u32 v28, v0;
	v41 =	vand.u32 $0x1F, v59;
	_ =	swait.ge [sflag:s21], $0x2000  }
0x10f: {  	v60 =	vor.u32 v20, v0;
	v49 =	vbroadcast v41, $0x0;
	[sflag:s21] =	ssyncset.done $0x0  }
0x110: {  	v61 =	vor.u32 v24, v0;
	[sflag:s21] =	ssyncadd.s32 $0xFFFFE000  }
0x111: {  	v63 =	vor.u32 v26, v49;
	v1 =	vld.idx.msk [tilespmem:v1+s17+$0x0], $0xffff  }
0x112: {  	v53 =	vor.u32 v24, v49  }
0x113: {  	v54 =	vor.u32 v20, v49;
	v40 =	vld.idx.msk [tilespmem:v58+s17+$0x0], $0xffff  }
0x114: {  	v52 =	vor.u32 v29, v0;
	s24 =	sand.u32 $0x3000, s1;
	s25 =	sand.u32 $0x380, s1;
	v42 =	vld.idx.msk [tilespmem:v60+s17+$0x0], $0xffff  }
0x115: {  	v62 =	vor.u32 v27, v0;
	s18 =	sor.u32 s25, s24;
	v43 =	vld.idx.msk [tilespmem:v61+s17+$0x0], $0xffff  }
0x116: {  	v44 =	vld.idx.msk [tilespmem:v63+s17+$0x0], $0xffff;
	[tilespmem:s18+$0x8A40] =	vst v1;
	v1 =	vor.u32 v21, v0  }
0x117: {  	s23 =	simm.s32 $0x2;
	s26 =	simm.s32 $0x3;
	v41 =	vld.idx.msk [tilespmem:v53+s17+$0x0], $0xffff;
	v0 =	vor.u32 v25, v0  }
0x118: {  	v55 =	vor.u32 v27, v49;
	v60 =	vmov s26;
	v61 =	vmov s23;
	v63 =	vld.idx.msk [tilespmem:v54+s17+$0x0], $0xffff;
	[tilespmem:s18+$0x8A60] =	vst v40  }
0x119: {  	s28 =	simm.s32 $0x200;
	s20 =	simm.s32 $0x80;
	v46 =	vand.u32 $0x1F, v61;
	[tilespmem:s18+$0x8A00] =	vst v42;
	v42 =	vor.u32 v28, v49;
	v40 =	vand.u32 $0x7F, v60;
	v45 =	vld.idx.msk [tilespmem:v52+s17+$0x0], $0xffff  }
0x11a: {  	s24 =	simm.s32 $0x2;
	s19 =	sand.u32 $0x3000, s28;
	s20 =	sand.u32 $0x380, s20;
	v47 =	vld.idx.msk [tilespmem:v62+s17+$0x0], $0xffff;
	v51 =	vbroadcast v40, $0x0;
	v40 =	vbroadcast v46, $0x0  }
0x11b: {  	s31 =	sor.u32 s20, s19;
	[tilespmem:s18+$0x8A20] =	vst v43;
	v62 =	vmov s24;
	v1 =	vld.idx.msk [tilespmem:v1+s17+$0x0], $0xffff  }
0x11c: {  	[tilespmem:s31+$0x8A40] =	vst v44;
	v43 =	vand.u32 $0x7E, v62;
	v50 =	vor.u32 v24, v40;
	v0 =	vld.idx.msk [tilespmem:v0+s17+$0x0], $0xffff  }
0x11d: {  	s25 =	simm.s32 $0x1;
	v57 =	vbroadcast v43, $0x0;
	v43 =	vld.idx.msk [tilespmem:v55+s17+$0x0], $0xffff  }
0x11e: {  	s0 =	simm.s32 $0x4220;
	v54 =	vor.u32 v21, v49;
	v61 =	vmov s25;
	v42 =	vld.idx.msk [tilespmem:v42+s17+$0x0], $0xffff;
	[tilespmem:s18+$0x8A70] =	vst v45  }
0x11f: {  	v60 =	vmov s1;
	v62 =	vand.u32 $0x7D, v61;
	v53 =	vor.u32 v26, v40;
	[tilespmem:s18+$0x8A50] =	vst v47;
	v52 =	vld [tilespmem:s0+$0xC0]  }
0x120: {  	v46 =	vor.u32 v22, v51;
	v48 =	vbroadcast v62, $0x0;
	v45 =	vand.u32 $0x7C, v60;
	v55 =	vld [tilespmem:s0+$0x80];
	[tilespmem:s18+$0x8A10] =	vst v1  }
0x121: {  	v56 =	vor.u32 v29, v49;
	v58 =	vor.u32 v22, v57;
	v47 =	vld.idx.msk [tilespmem:v50+s17+$0x0], $0xffff;
	v1 =	vbroadcast v45, $0x0;
	[tilespmem:s18+$0x8A30] =	vst v0  }
0x122: {  	[tilespmem:s31+$0x8A00] =	vst v63;
	v61 =	vor.u32 v22, v48;
	v60 =	vld [tilespmem:s0+$0x40]  }
0x123: {  	[tilespmem:s31+$0x8A50] =	vst v43;
	v59 =	vld [tilespmem:s0+$0x0];
	v0 =	vor.u32 v22, v1  }
0x124: {  	v53 =	vld.idx.msk [tilespmem:v53+s17+$0x0], $0xffff;
	[tilespmem:s31+$0x8A60] =	vst v42  }
0x125: {  	[tilespmem:v46+s22+$0x0] =	vst.idx.msk $0xffff, v52;
	v52 =	vld.idx.msk [tilespmem:v54+s17+$0x0], $0xffff  }
0x126: {  	v54 =	vld.idx.msk [tilespmem:v56+s17+$0x0], $0xffff;
	[tilespmem:v58+s22+$0x0] =	vst.idx.msk $0xffff, v55  }
0x127: {  	s26 =	simm.s32 $0x7;
	v56 =	vld [tilespmem:s0+$0x90];
	[tilespmem:v61+s22+$0x0] =	vst.idx.msk $0xffff, v60  }
0x128: {  	s28 =	simm.s32 $0x6;
	v63 =	vmov s26;
	v58 =	vor.u32 v23, v57;
	v57 =	vld [tilespmem:s0+$0xD0];
	[tilespmem:v0+s22+$0x0] =	vst.idx.msk $0xffff, v59  }
0x129: {  	v44 =	vor.u32 v23, v51;
	v51 =	vor.u32 v27, v40;
	v62 =	vmov s28;
	v5 =	vld [tilespmem:$0x1FFC0]  }
0x12a: {  	s30 =	simm.s32 $0x4320;
	s19 =	simm.s32 $0xC;
	s20 =	simm.s32 $0x400;
	v50 =	vor.u32 v25, v49;
	v43 =	vor.u32 v29, v40;
	v42 =	vand.u32 $0x7F, v63;
	v7 =	vld [tilespmem:$0x1FFD0]  }
0x12b: {  	s23 =	simm.s32 $0x100;
	s25 =	sand.u32 $0x3000, s20;
	s1 =	simm.s32 $0x8;
	v45 =	vor.u32 v28, v40;
	v63 =	vand.u32 $0x7E, v62;
	v49 =	vbroadcast v42, $0x0;
	v8 =	vld [tilespmem:$0x1FFE0]  }
0x12c: {  	s26 =	sand.u32 $0x380, s23;
	s24 =	simm.s32 $0x3;
	s18 =	simm.s32 $0x4;
	v42 =	vbroadcast v63, $0x0;
	v46 =	vor.u32 v20, v40;
	v55 =	vor.u32 v23, v1;
	v9 =	vld [tilespmem:$0x1FFF0]  }
.LBB2_6:
0x12d: {  	p0 =	slt.u32 s19, $0x7C  }
0x12e: {  	v0 =	vmov s24;
	s25 =	sor.u32 s26, s25;
	v1 =	vmov s18;
	[tilespmem:s31+$0x8A20] =	vst v41;
	v59 =	vor.u32 v22, v49;
	v60 =	vld [tilespmem:s0+$0x50];
	v41 =	vmovc v47;
	s26 =	smov.u32 s19;
	s19 =	sadd.s32 $0x4, s19  }
0x12f: {  	v0 =	vand.u32 $0x1F, v0;
	[tilespmem:s25+$0x8A40] =	vst v53;
	v1 =	vand.u32 $0x7C, v1;
	v61 =	vor.u32 v22, v42;
	v47 =	vld [tilespmem:s0+$0x10];
	s0 =	smov.u32 s30  }
0x130: {  	v48 =	vor.u32 v23, v48;
	v0 =	vbroadcast v0, $0x0;
	[tilespmem:s31+$0x8A10] =	vst v52;
	v1 =	vbroadcast v1, $0x0;
	v50 =	vld.idx.msk [tilespmem:v50+s17+$0x0], $0xffff  }
0x131: {  	v62 =	vor.u32 v21, v40;
	v52 =	vld.idx.msk [tilespmem:v46+s17+$0x0], $0xffff;
	[tilespmem:s31+$0x8A70] =	vst v54  }
0x132: {  	v46 =	vor.u32 v20, v0;
	v53 =	vor.u32 v26, v0;
	v51 =	vld.idx.msk [tilespmem:v51+s17+$0x0], $0xffff;
	[tilespmem:v58+s22+$0x0] =	vst.idx.msk $0xffff, v56  }
0x133: {  	s28 =	sadd.s32 $0x1, s18;
	s18 =	smov.u32 s1;
	s1 =	smov.u32 s26;
	v54 =	vor.u32 v24, v0;
	v56 =	vor.u32 v22, v1;
	v58 =	vld [tilespmem:s30+$0xC0];
	[tilespmem:v44+s22+$0x0] =	vst.idx.msk $0xffff, v57  }
0x134: {  	v63 =	vmov s28;
	v44 =	vor.u32 v23, v49;
	v57 =	vld.idx.msk [tilespmem:v45+s17+$0x0], $0xffff;
	[tilespmem:v55+s22+$0x0] =	vst.idx.msk $0xffff, v47  }
0x135: {  	v45 =	vor.u32 v28, v0;
	v47 =	vand.u32 $0x7D, v63;
	v49 =	vld [tilespmem:s30+$0x80];
	[tilespmem:v48+s22+$0x0] =	vst.idx.msk $0xffff, v60  }
0x136: {  	v48 =	vbroadcast v47, $0x0;
	s30 =	sadd.s32 $0x100, s30;
	v55 =	vld [tilespmem:s0+$0x0];
	[tilespmem:s31+$0x8A30] =	vst v50;
	s31 =	smov.u32 s25  }
0x137: {  	v50 =	vor.u32 v25, v40;
	v40 =	vmov v0;
	[tilespmem:s31+$0x8A00] =	vst v52;
	v60 =	vld [tilespmem:s0+$0x40]  }
0x138: {  	v0 =	vor.u32 v22, v48;
	v47 =	vld.idx.msk [tilespmem:v54+s17+$0x0], $0xffff;
	[tilespmem:v59+s22+$0x0] =	vst.idx.msk $0xffff, v58  }
.Ltmp2:
0x139: {  	s25 =	sadd.s32 $0x3, s18;
	v53 =	vld.idx.msk [tilespmem:v53+s17+$0x0], $0xffff;
	[tilespmem:s31+$0x8A50] =	vst v51;
	(pc) =	sbr.rel @p0 .LBB2_6-.Ltmp2, $4  }
0x13a: {  	s20 =	sadd.s32 $0x200, s20;
	s23 =	sadd.s32 $0x80, s23;
	s26 =	sadd.s32 $0x2, s18;
	v52 =	vld.idx.msk [tilespmem:v62+s17+$0x0], $0xffff;
	[tilespmem:s31+$0x8A60] =	vst v57;
	v57 =	vmov s25  }
0x13b: {  	v58 =	vmov s26;
	v51 =	vor.u32 v27, v40;
	v54 =	vld.idx.msk [tilespmem:v43+s17+$0x0], $0xffff;
	v57 =	vand.u32 $0x7F, v57;
	[tilespmem:v61+s22+$0x0] =	vst.idx.msk $0xffff, v49  }
0x13c: {  	v59 =	vand.u32 $0x7E, v58;
	v43 =	vor.u32 v29, v40;
	v49 =	vbroadcast v57, $0x0;
	[tilespmem:v56+s22+$0x0] =	vst.idx.msk $0xffff, v55;
	v56 =	vld [tilespmem:s0+$0x90]  }
0x13d: {  	s24 =	sadd.s32 $0x1, s24;
	s26 =	sand.u32 $0x380, s23;
	v58 =	vor.u32 v23, v42;
	s25 =	sand.u32 $0x3000, s20;
	v42 =	vbroadcast v59, $0x0;
	v55 =	vor.u32 v23, v1;
	[tilespmem:v0+s22+$0x0] =	vst.idx.msk $0xffff, v60;
	v57 =	vld [tilespmem:s0+$0xD0]  }
0x13e: {  	s19 =	sor.u32 s26, s25;
	[tilespmem:s31+$0x8A20] =	vst v41  }
0x13f: {  	[tilespmem:s19+$0x8A40] =	vst v53  }
0x140: {  	v0 =	vld [tilespmem:s0+$0x10];
	[tilespmem:s31+$0x8A10] =	vst v52  }
0x141: {  	v1 =	vld [tilespmem:s0+$0x50];
	v62 =	vor.u32 v23, v48;
	[tilespmem:s19+$0x8A20] =	vst v47  }
0x142: {  	v45 =	vld.idx.msk [tilespmem:v45+s17+$0x0], $0xffff;
	[tilespmem:s31+$0x8A70] =	vst v54  }
0x143: {  	v63 =	vld.idx.msk [tilespmem:v50+s17+$0x0], $0xffff;
	[tilespmem:v58+s22+$0x0] =	vst.idx.msk $0xffff, v56  }
0x144: {  	v46 =	vld.idx.msk [tilespmem:v46+s17+$0x0], $0xffff;
	s25 =	sadd.s32 $0x1, s18;
	[tilespmem:v44+s22+$0x0] =	vst.idx.msk $0xffff, v57  }
0x145: {  	v61 =	vld [tilespmem:s30+$0x80];
	v50 =	vor.u32 v22, v49;
	v59 =	vmov s25;
	v48 =	vor.u32 v22, v42;
	[tilespmem:v55+s22+$0x0] =	vst.idx.msk $0xffff, v0  }
0x146: {  	v60 =	vand.u32 $0x7D, v59;
	v52 =	vld [tilespmem:s30+$0xC0];
	v58 =	vmov s18;
	[tilespmem:v62+s22+$0x0] =	vst.idx.msk $0xffff, v1;
	v1 =	vor.u32 v21, v40  }
0x147: {  	v41 =	vbroadcast v60, $0x0;
	v44 =	vld.idx.msk [tilespmem:v51+s17+$0x0], $0xffff;
	v0 =	vand.u32 $0x7C, v58;
	v62 =	vor.u32 v25, v40;
	[tilespmem:s19+$0x8A60] =	vst v45  }
0x148: {  	v0 =	vbroadcast v0, $0x0;
	[tilespmem:s31+$0x8A30] =	vst v63;
	v43 =	vld.idx.msk [tilespmem:v43+s17+$0x0], $0xffff  }
0x149: {  	s28 =	sadd.s32 $0x2, s1;
	[tilespmem:s19+$0x8A00] =	vst v46;
	v58 =	vor.u32 v22, v41;
	v57 =	vld [tilespmem:s30+$0x40]  }
0x14a: {  	v56 =	vld [tilespmem:s30+$0x0];
	v60 =	vmov s28;
	[tilespmem:v48+s22+$0x0] =	vst.idx.msk $0xffff, v61;
	v63 =	vor.u32 v22, v0  }
0x14b: {  	s26 =	sadd.s32 $0x3, s1;
	s18 =	sadd.s32 $0x1, s1;
	v45 =	vand.u32 $0x7E, v60;
	[tilespmem:v50+s22+$0x0] =	vst.idx.msk $0xffff, v52;
	v1 =	vld.idx.msk [tilespmem:v1+s17+$0x0], $0xffff  }
0x14c: {  	v59 =	vmov s26;
	v55 =	vmov s18;
	v45 =	vbroadcast v45, $0x0;
	[tilespmem:s19+$0x8A50] =	vst v44;
	v40 =	vld.idx.msk [tilespmem:v62+s17+$0x0], $0xffff  }
0x14d: {  	s20 =	sadd.s32 $0x100, s30;
	v61 =	vor.u32 v23, v42;
	v46 =	vld [tilespmem:s30+$0x90];
	v44 =	vand.u32 $0x7F, v59;
	v62 =	vmov s1;
	[tilespmem:s19+$0x8A70] =	vst v43  }
0x14e: {  	v51 =	vor.u32 v22, v45;
	v44 =	vbroadcast v44, $0x0;
	v48 =	vand.u32 $0x7C, v62;
	[tilespmem:v58+s22+$0x0] =	vst.idx.msk $0xffff, v57;
	v57 =	vld [tilespmem:s20+$0x80]  }
0x14f: {  	v47 =	vor.u32 v23, v49;
	v48 =	vbroadcast v48, $0x0;
	[tilespmem:v63+s22+$0x0] =	vst.idx.msk $0xffff, v56;
	v63 =	vld [tilespmem:s30+$0xD0];
	v56 =	vand.u32 $0x7D, v55  }
0x150: {  	v58 =	vor.u32 v22, v44;
	v43 =	vbroadcast v56, $0x0;
	[tilespmem:s19+$0x8A10] =	vst v1;
	v1 =	vld [tilespmem:s20+$0xC0]  }
0x151: {  	v59 =	vor.u32 v22, v48;
	[tilespmem:s19+$0x8A30] =	vst v40;
	v60 =	vld [tilespmem:s20+$0x0]  }
0x152: {  	[tilespmem:v61+s22+$0x0] =	vst.idx.msk $0xffff, v46;
	v40 =	vld [tilespmem:s20+$0x40];
	v61 =	vor.u32 v22, v43  }
0x153: {  	v0 =	vor.u32 v23, v0;
	v62 =	vld [tilespmem:s30+$0x10];
	[tilespmem:v51+s22+$0x0] =	vst.idx.msk $0xffff, v57  }
0x154: {  	v41 =	vor.u32 v23, v41;
	[tilespmem:v47+s22+$0x0] =	vst.idx.msk $0xffff, v63;
	v63 =	vld [tilespmem:s30+$0x50]  }
0x155: {  	v45 =	vor.u32 v23, v45;
	[tilespmem:v58+s22+$0x0] =	vst.idx.msk $0xffff, v1;
	v1 =	vld [tilespmem:s20+$0x90]  }
0x156: {  	v44 =	vor.u32 v23, v44;
	[tilespmem:v59+s22+$0x0] =	vst.idx.msk $0xffff, v60;
	v55 =	vld [tilespmem:s20+$0xD0]  }
0x157: {  	v48 =	vor.u32 v23, v48;
	[tilespmem:v61+s22+$0x0] =	vst.idx.msk $0xffff, v40;
	v56 =	vld [tilespmem:s20+$0x10]  }
0x158: {  	v57 =	vor.u32 v23, v43;
	[tilespmem:v0+s22+$0x0] =	vst.idx.msk $0xffff, v62;
	v0 =	vld [tilespmem:s20+$0x50]  }
0x159: {  	[tilespmem:v41+s22+$0x0] =	vst.idx.msk $0xffff, v63  }
0x15a: {  	[tilespmem:v45+s22+$0x0] =	vst.idx.msk $0xffff, v1  }
0x15b: {  	[tilespmem:v44+s22+$0x0] =	vst.idx.msk $0xffff, v55  }
0x15c: {  	[tilespmem:v48+s22+$0x0] =	vst.idx.msk $0xffff, v56  }
0x15d: {  	s23 =	simm.s32 $0x8A00;
	s1 =	simm.s32 $0x0;
	[tilespmem:v57+s22+$0x0] =	vst.idx.msk $0xffff, v0  }
0x15e: {  	[hbm4b:s10+s1] =	stream.linear.scatter [tilespmem:s23], [sflag:$0x2], $0x400, $0x38;
	[tilespmem:$0x10200] =	vst v63  }
0x15f: {  	s24 =	sadd.s32 $0x4000, s10;
	s25 =	simm.s32 $0x9A00  }
0x160: {  	[hbm4b:s24+s1] =	stream.linear.scatter [tilespmem:s25], [sflag:$0x2], $0x400, $0x38;
	[tilespmem:$0x10200] =	vst v63  }
0x161: {  	s26 =	sadd.s32 $0x8000, s10;
	s28 =	simm.s32 $0xAA00  }
0x162: {  	[hbm4b:s26+s1] =	stream.linear.scatter [tilespmem:s28], [sflag:$0x2], $0x400, $0x38;
	[tilespmem:$0x10200] =	vst v63  }
0x163: {  	s18 =	sadd.s32 $0xC000, s10;
	s19 =	simm.s32 $0xBA00  }
0x164: {  	[hbm4b:s18+s1] =	stream.linear.scatter [tilespmem:s19], [sflag:$0x2], $0x400, $0x38;
	[tilespmem:$0x10200] =	vst v63  }
0x165: {  	s20 =	sadd.s32 $0x10000, s10;
	s23 =	simm.s32 $0xCA00  }
0x166: {  	[hbm4b:s20+s1] =	stream.linear.scatter [tilespmem:s23], [sflag:$0x2], $0x400, $0x38;
	[tilespmem:$0x10200] =	vst v63  }
0x167: {  	v0 =	vmov s1;
	s24 =	sadd.s32 $0x14000, s10;
	s25 =	simm.s32 $0xDA00  }
0x168: {  	v0 =	vand.u32 $0x1F, v0;
	[hbm4b:s24+s1] =	stream.linear.scatter [tilespmem:s25], [sflag:$0x2], $0x400, $0x38;
	[tilespmem:$0x10200] =	vst v63  }
0x169: {  	v0 =	vbroadcast v0, $0x0;
	s26 =	sadd.s32 $0x18000, s10;
	s28 =	simm.s32 $0xEA00  }
0x16a: {  	[hbm4b:s26+s1] =	stream.linear.scatter [tilespmem:s28], [sflag:$0x2], $0x400, $0x38;
	[tilespmem:$0x10200] =	vst v63  }
0x16b: {  	v1 =	vor.u32 v36, v0;
	s19 =	sadd.s32 $0x1C000, s10;
	s20 =	simm.s32 $0xFA00;
	s23 =	simm.s32 $0x1  }
0x16c: {  	v59 =	vmov s23;
	[hbm4b:s19+s1] =	stream.linear.scatter [tilespmem:s20], [sflag:$0x2], $0x400, $0x38;
	[tilespmem:$0x10200] =	vst v63  }
0x16d: {  	v58 =	vor.u32 v38, v0;
	v41 =	vand.u32 $0x1F, v59;
	_ =	swait.ge [sflag:s21], $0x2000  }
0x16e: {  	v60 =	vor.u32 v30, v0;
	v49 =	vbroadcast v41, $0x0;
	[sflag:s21] =	ssyncset.done $0x0  }
0x16f: {  	v61 =	vor.u32 v34, v0;
	[sflag:s21] =	ssyncadd.s32 $0xFFFFE000  }
0x170: {  	v63 =	vor.u32 v36, v49;
	v1 =	vld.idx.msk [tilespmem:v1+s17+$0x0], $0xffff  }
0x171: {  	v53 =	vor.u32 v34, v49  }
0x172: {  	v54 =	vor.u32 v30, v49;
	v40 =	vld.idx.msk [tilespmem:v58+s17+$0x0], $0xffff  }
0x173: {  	v52 =	vor.u32 v39, v0;
	s24 =	sand.u32 $0x3000, s1;
	s25 =	sand.u32 $0x380, s1;
	v42 =	vld.idx.msk [tilespmem:v60+s17+$0x0], $0xffff  }
0x174: {  	v62 =	vor.u32 v37, v0;
	s18 =	sor.u32 s25, s24;
	v43 =	vld.idx.msk [tilespmem:v61+s17+$0x0], $0xffff  }
0x175: {  	v44 =	vld.idx.msk [tilespmem:v63+s17+$0x0], $0xffff;
	[tilespmem:s18+$0x8E40] =	vst v1;
	v1 =	vor.u32 v31, v0  }
0x176: {  	s23 =	simm.s32 $0x2;
	s26 =	simm.s32 $0x3;
	v41 =	vld.idx.msk [tilespmem:v53+s17+$0x0], $0xffff;
	v0 =	vor.u32 v35, v0  }
0x177: {  	v55 =	vor.u32 v37, v49;
	v60 =	vmov s26;
	v61 =	vmov s23;
	v63 =	vld.idx.msk [tilespmem:v54+s17+$0x0], $0xffff;
	[tilespmem:s18+$0x8E60] =	vst v40  }
0x178: {  	s28 =	simm.s32 $0x200;
	s20 =	simm.s32 $0x80;
	v46 =	vand.u32 $0x1F, v61;
	[tilespmem:s18+$0x8E00] =	vst v42;
	v42 =	vor.u32 v38, v49;
	v40 =	vand.u32 $0x7F, v60;
	v45 =	vld.idx.msk [tilespmem:v52+s17+$0x0], $0xffff  }
0x179: {  	s24 =	simm.s32 $0x2;
	s19 =	sand.u32 $0x3000, s28;
	s20 =	sand.u32 $0x380, s20;
	v47 =	vld.idx.msk [tilespmem:v62+s17+$0x0], $0xffff;
	v51 =	vbroadcast v40, $0x0;
	v40 =	vbroadcast v46, $0x0  }
0x17a: {  	s31 =	sor.u32 s20, s19;
	[tilespmem:s18+$0x8E20] =	vst v43;
	v62 =	vmov s24;
	v1 =	vld.idx.msk [tilespmem:v1+s17+$0x0], $0xffff  }
0x17b: {  	[tilespmem:s31+$0x8E40] =	vst v44;
	v43 =	vand.u32 $0x7E, v62;
	v50 =	vor.u32 v34, v40;
	v0 =	vld.idx.msk [tilespmem:v0+s17+$0x0], $0xffff  }
0x17c: {  	s25 =	simm.s32 $0x1;
	v57 =	vbroadcast v43, $0x0;
	v43 =	vld.idx.msk [tilespmem:v55+s17+$0x0], $0xffff  }
0x17d: {  	s0 =	simm.s32 $0x6220;
	v54 =	vor.u32 v31, v49;
	v61 =	vmov s25;
	v42 =	vld.idx.msk [tilespmem:v42+s17+$0x0], $0xffff;
	[tilespmem:s18+$0x8E70] =	vst v45  }
0x17e: {  	v60 =	vmov s1;
	v62 =	vand.u32 $0x7D, v61;
	v53 =	vor.u32 v36, v40;
	[tilespmem:s18+$0x8E50] =	vst v47;
	v52 =	vld [tilespmem:s0+$0xC0]  }
0x17f: {  	v46 =	vor.u32 v32, v51;
	v48 =	vbroadcast v62, $0x0;
	v45 =	vand.u32 $0x7C, v60;
	v55 =	vld [tilespmem:s0+$0x80];
	[tilespmem:s18+$0x8E10] =	vst v1  }
0x180: {  	v56 =	vor.u32 v39, v49;
	v58 =	vor.u32 v32, v57;
	v47 =	vld.idx.msk [tilespmem:v50+s17+$0x0], $0xffff;
	v1 =	vbroadcast v45, $0x0;
	[tilespmem:s18+$0x8E30] =	vst v0  }
0x181: {  	[tilespmem:s31+$0x8E00] =	vst v63;
	v61 =	vor.u32 v32, v48;
	v60 =	vld [tilespmem:s0+$0x40]  }
0x182: {  	[tilespmem:s31+$0x8E50] =	vst v43;
	v59 =	vld [tilespmem:s0+$0x0];
	v0 =	vor.u32 v32, v1  }
0x183: {  	s26 =	simm.s32 $0x7;
	v44 =	vor.u32 v33, v51;
	v51 =	vor.u32 v37, v40;
	v53 =	vld.idx.msk [tilespmem:v53+s17+$0x0], $0xffff;
	[tilespmem:s31+$0x8E60] =	vst v42  }
0x184: {  	s28 =	simm.s32 $0x6;
	v63 =	vmov s26;
	v50 =	vor.u32 v35, v49;
	v43 =	vor.u32 v39, v40;
	[tilespmem:v46+s22+$0x0] =	vst.idx.msk $0xffff, v52;
	v52 =	vld.idx.msk [tilespmem:v54+s17+$0x0], $0xffff  }
0x185: {  	s30 =	simm.s32 $0x6320;
	s19 =	simm.s32 $0xC;
	s20 =	simm.s32 $0x400;
	v62 =	vmov s28;
	v45 =	vor.u32 v38, v40;
	v42 =	vand.u32 $0x7F, v63;
	v54 =	vld.idx.msk [tilespmem:v56+s17+$0x0], $0xffff;
	[tilespmem:v58+s22+$0x0] =	vst.idx.msk $0xffff, v55  }
0x186: {  	s23 =	simm.s32 $0x100;
	s25 =	sand.u32 $0x3000, s20;
	s1 =	simm.s32 $0x8;
	v63 =	vand.u32 $0x7E, v62;
	v49 =	vbroadcast v42, $0x0;
	v46 =	vor.u32 v30, v40;
	v56 =	vld [tilespmem:s0+$0x90];
	[tilespmem:v61+s22+$0x0] =	vst.idx.msk $0xffff, v60  }
0x187: {  	s26 =	sand.u32 $0x380, s23;
	s24 =	simm.s32 $0x3;
	s18 =	simm.s32 $0x4;
	v42 =	vbroadcast v63, $0x0;
	v55 =	vor.u32 v33, v1;
	v58 =	vor.u32 v33, v57;
	v57 =	vld [tilespmem:s0+$0xD0];
	[tilespmem:v0+s22+$0x0] =	vst.idx.msk $0xffff, v59  }
.LBB2_8:
0x188: {  	p0 =	slt.u32 s19, $0x7C  }
0x189: {  	v0 =	vmov s24;
	s25 =	sor.u32 s26, s25;
	v1 =	vmov s18;
	[tilespmem:s31+$0x8E20] =	vst v41;
	v59 =	vor.u32 v32, v49;
	v60 =	vld [tilespmem:s0+$0x50];
	v41 =	vmovc v47;
	s26 =	smov.u32 s19;
	s19 =	sadd.s32 $0x4, s19  }
0x18a: {  	v0 =	vand.u32 $0x1F, v0;
	[tilespmem:s25+$0x8E40] =	vst v53;
	v1 =	vand.u32 $0x7C, v1;
	v61 =	vor.u32 v32, v42;
	v47 =	vld [tilespmem:s0+$0x10];
	s0 =	smov.u32 s30  }
0x18b: {  	v48 =	vor.u32 v33, v48;
	v0 =	vbroadcast v0, $0x0;
	[tilespmem:s31+$0x8E10] =	vst v52;
	v1 =	vbroadcast v1, $0x0;
	v50 =	vld.idx.msk [tilespmem:v50+s17+$0x0], $0xffff  }
0x18c: {  	v62 =	vor.u32 v31, v40;
	v52 =	vld.idx.msk [tilespmem:v46+s17+$0x0], $0xffff;
	[tilespmem:s31+$0x8E70] =	vst v54  }
0x18d: {  	v46 =	vor.u32 v30, v0;
	v53 =	vor.u32 v36, v0;
	v51 =	vld.idx.msk [tilespmem:v51+s17+$0x0], $0xffff;
	[tilespmem:v58+s22+$0x0] =	vst.idx.msk $0xffff, v56  }
0x18e: {  	s28 =	sadd.s32 $0x1, s18;
	s18 =	smov.u32 s1;
	s1 =	smov.u32 s26;
	v54 =	vor.u32 v34, v0;
	v56 =	vor.u32 v32, v1;
	v58 =	vld [tilespmem:s30+$0xC0];
	[tilespmem:v44+s22+$0x0] =	vst.idx.msk $0xffff, v57  }
0x18f: {  	v63 =	vmov s28;
	v44 =	vor.u32 v33, v49;
	v57 =	vld.idx.msk [tilespmem:v45+s17+$0x0], $0xffff;
	[tilespmem:v55+s22+$0x0] =	vst.idx.msk $0xffff, v47  }
0x190: {  	v45 =	vor.u32 v38, v0;
	v47 =	vand.u32 $0x7D, v63;
	v49 =	vld [tilespmem:s30+$0x80];
	[tilespmem:v48+s22+$0x0] =	vst.idx.msk $0xffff, v60  }
0x191: {  	v48 =	vbroadcast v47, $0x0;
	s30 =	sadd.s32 $0x100, s30;
	v55 =	vld [tilespmem:s0+$0x0];
	[tilespmem:s31+$0x8E30] =	vst v50;
	s31 =	smov.u32 s25  }
0x192: {  	v50 =	vor.u32 v35, v40;
	v40 =	vmov v0;
	[tilespmem:s31+$0x8E00] =	vst v52;
	v60 =	vld [tilespmem:s0+$0x40]  }
0x193: {  	v0 =	vor.u32 v32, v48;
	v47 =	vld.idx.msk [tilespmem:v54+s17+$0x0], $0xffff;
	[tilespmem:v59+s22+$0x0] =	vst.idx.msk $0xffff, v58  }
.Ltmp3:
0x194: {  	s25 =	sadd.s32 $0x3, s18;
	v53 =	vld.idx.msk [tilespmem:v53+s17+$0x0], $0xffff;
	[tilespmem:s31+$0x8E50] =	vst v51;
	(pc) =	sbr.rel @p0 .LBB2_8-.Ltmp3, $4  }
0x195: {  	s20 =	sadd.s32 $0x200, s20;
	s23 =	sadd.s32 $0x80, s23;
	s26 =	sadd.s32 $0x2, s18;
	v52 =	vld.idx.msk [tilespmem:v62+s17+$0x0], $0xffff;
	[tilespmem:s31+$0x8E60] =	vst v57;
	v57 =	vmov s25  }
0x196: {  	v58 =	vmov s26;
	v51 =	vor.u32 v37, v40;
	v54 =	vld.idx.msk [tilespmem:v43+s17+$0x0], $0xffff;
	v57 =	vand.u32 $0x7F, v57;
	[tilespmem:v61+s22+$0x0] =	vst.idx.msk $0xffff, v49  }
0x197: {  	v59 =	vand.u32 $0x7E, v58;
	v43 =	vor.u32 v39, v40;
	v49 =	vbroadcast v57, $0x0;
	[tilespmem:v56+s22+$0x0] =	vst.idx.msk $0xffff, v55;
	v56 =	vld [tilespmem:s0+$0x90]  }
0x198: {  	s24 =	sadd.s32 $0x1, s24;
	s26 =	sand.u32 $0x380, s23;
	v58 =	vor.u32 v33, v42;
	s25 =	sand.u32 $0x3000, s20;
	v42 =	vbroadcast v59, $0x0;
	v55 =	vor.u32 v33, v1;
	[tilespmem:v0+s22+$0x0] =	vst.idx.msk $0xffff, v60;
	v57 =	vld [tilespmem:s0+$0xD0]  }
0x199: {  	s19 =	sor.u32 s26, s25;
	[tilespmem:s31+$0x8E20] =	vst v41  }
0x19a: {  	[tilespmem:s19+$0x8E40] =	vst v53  }
0x19b: {  	v0 =	vld [tilespmem:s0+$0x10];
	[tilespmem:s31+$0x8E10] =	vst v52  }
0x19c: {  	v1 =	vld [tilespmem:s0+$0x50];
	v60 =	vor.u32 v33, v48;
	[tilespmem:s19+$0x8E20] =	vst v47  }
0x19d: {  	v45 =	vld.idx.msk [tilespmem:v45+s17+$0x0], $0xffff;
	[tilespmem:s31+$0x8E70] =	vst v54  }
0x19e: {  	v46 =	vld.idx.msk [tilespmem:v46+s17+$0x0], $0xffff;
	[tilespmem:v58+s22+$0x0] =	vst.idx.msk $0xffff, v56  }
0x19f: {  	v61 =	vld.idx.msk [tilespmem:v50+s17+$0x0], $0xffff;
	[tilespmem:v44+s22+$0x0] =	vst.idx.msk $0xffff, v57  }
0x1a0: {  	v62 =	vor.u32 v32, v49;
	s28 =	sadd.s32 $0x1, s18;
	v48 =	vor.u32 v32, v42;
	v54 =	vmov s18;
	v63 =	vld [tilespmem:s30+$0xC0];
	[tilespmem:v55+s22+$0x0] =	vst.idx.msk $0xffff, v0  }
0x1a1: {  	v56 =	vmov s28;
	v58 =	vld [tilespmem:s30+$0x80];
	v0 =	vand.u32 $0x7C, v54;
	[tilespmem:v60+s22+$0x0] =	vst.idx.msk $0xffff, v1;
	v1 =	vor.u32 v31, v40  }
0x1a2: {  	v59 =	vor.u32 v35, v40;
	v44 =	vld.idx.msk [tilespmem:v51+s17+$0x0], $0xffff;
	v57 =	vand.u32 $0x7D, v56;
	[tilespmem:s19+$0x8E60] =	vst v45;
	v0 =	vbroadcast v0, $0x0  }
0x1a3: {  	v41 =	vbroadcast v57, $0x0;
	[tilespmem:s19+$0x8E00] =	vst v46;
	v43 =	vld.idx.msk [tilespmem:v43+s17+$0x0], $0xffff  }
0x1a4: {  	[tilespmem:s31+$0x8E30] =	vst v61;
	v61 =	vld [tilespmem:s30+$0x0];
	v60 =	vor.u32 v32, v0  }
0x1a5: {  	s20 =	sadd.s32 $0x2, s1;
	[tilespmem:v62+s22+$0x0] =	vst.idx.msk $0xffff, v63;
	v62 =	vld [tilespmem:s30+$0x40];
	v63 =	vor.u32 v32, v41  }
0x1a6: {  	v47 =	vor.u32 v33, v49;
	s18 =	sadd.s32 $0x3, s1;
	v57 =	vmov s20;
	[tilespmem:v48+s22+$0x0] =	vst.idx.msk $0xffff, v58;
	v1 =	vld.idx.msk [tilespmem:v1+s17+$0x0], $0xffff  }
0x1a7: {  	v42 =	vor.u32 v33, v42;
	v56 =	vmov s18;
	v40 =	vld.idx.msk [tilespmem:v59+s17+$0x0], $0xffff;
	v45 =	vand.u32 $0x7E, v57;
	[tilespmem:s19+$0x8E50] =	vst v44  }
0x1a8: {  	s23 =	sadd.s32 $0x1, s1;
	v45 =	vbroadcast v45, $0x0;
	v58 =	vmov s1;
	v44 =	vand.u32 $0x7F, v56;
	v46 =	vld [tilespmem:s30+$0x90];
	[tilespmem:s19+$0x8E70] =	vst v43  }
0x1a9: {  	s24 =	sadd.s32 $0x100, s30;
	v59 =	vmov s23;
	v49 =	vld [tilespmem:s30+$0xD0];
	v48 =	vand.u32 $0x7C, v58;
	v44 =	vbroadcast v44, $0x0;
	[tilespmem:v60+s22+$0x0] =	vst.idx.msk $0xffff, v61  }
0x1aa: {  	v51 =	vor.u32 v32, v45;
	v48 =	vbroadcast v48, $0x0;
	[tilespmem:v63+s22+$0x0] =	vst.idx.msk $0xffff, v62;
	v60 =	vand.u32 $0x7D, v59;
	v61 =	vld [tilespmem:s24+$0x80]  }
0x1ab: {  	v62 =	vor.u32 v32, v44;
	v43 =	vbroadcast v60, $0x0;
	[tilespmem:s19+$0x8E10] =	vst v1;
	v1 =	vld [tilespmem:s24+$0xC0]  }
0x1ac: {  	[tilespmem:s19+$0x8E30] =	vst v40;
	v63 =	vor.u32 v32, v48;
	v57 =	vld [tilespmem:s24+$0x0]  }
0x1ad: {  	v40 =	vld [tilespmem:s24+$0x40];
	[tilespmem:v42+s22+$0x0] =	vst.idx.msk $0xffff, v46;
	v58 =	vor.u32 v32, v43  }
0x1ae: {  	v0 =	vor.u32 v33, v0;
	v59 =	vld [tilespmem:s30+$0x10];
	[tilespmem:v47+s22+$0x0] =	vst.idx.msk $0xffff, v49  }
0x1af: {  	v41 =	vor.u32 v33, v41;
	v60 =	vld [tilespmem:s30+$0x50];
	[tilespmem:v51+s22+$0x0] =	vst.idx.msk $0xffff, v61  }
0x1b0: {  	v45 =	vor.u32 v33, v45;
	[tilespmem:v62+s22+$0x0] =	vst.idx.msk $0xffff, v1;
	v1 =	vld [tilespmem:s24+$0x90]  }
0x1b1: {  	v44 =	vor.u32 v33, v44;
	[tilespmem:v63+s22+$0x0] =	vst.idx.msk $0xffff, v57;
	v61 =	vld [tilespmem:s24+$0xD0]  }
0x1b2: {  	v48 =	vor.u32 v33, v48;
	[tilespmem:v58+s22+$0x0] =	vst.idx.msk $0xffff, v40;
	v62 =	vld [tilespmem:s24+$0x10]  }
0x1b3: {  	[tilespmem:v0+s22+$0x0] =	vst.idx.msk $0xffff, v59;
	v63 =	vor.u32 v33, v43;
	v0 =	vld [tilespmem:s24+$0x50]  }
0x1b4: {  	[tilespmem:v41+s22+$0x0] =	vst.idx.msk $0xffff, v60  }
0x1b5: {  	[tilespmem:v45+s22+$0x0] =	vst.idx.msk $0xffff, v1  }
0x1b6: {  	[tilespmem:v44+s22+$0x0] =	vst.idx.msk $0xffff, v61  }
0x1b7: {  	[tilespmem:v48+s22+$0x0] =	vst.idx.msk $0xffff, v62  }
0x1b8: {  	s25 =	simm.s32 $0x8E00;
	[tilespmem:v63+s22+$0x0] =	vst.idx.msk $0xffff, v0  }
0x1b9: {  	[hbm4b:s11+s2] =	stream.linear.scatter [tilespmem:s25], [sflag:$0x2], $0x400, $0x38;
	[tilespmem:$0x10200] =	vst v63  }
0x1ba: {  	s26 =	sadd.s32 $0x4000, s11;
	s28 =	simm.s32 $0x9E00  }
0x1bb: {  	[hbm4b:s26+s2] =	stream.linear.scatter [tilespmem:s28], [sflag:$0x2], $0x400, $0x38;
	[tilespmem:$0x10200] =	vst v63  }
0x1bc: {  	s31 =	simm.s32 $0xAE00;
	s30 =	sadd.s32 $0x8000, s11  }
0x1bd: {  	[hbm4b:s30+s2] =	stream.linear.scatter [tilespmem:s31], [sflag:$0x2], $0x400, $0x38;
	[tilespmem:$0x10200] =	vst v63  }
0x1be: {  	s18 =	sadd.s32 $0xC000, s11;
	s19 =	simm.s32 $0xBE00  }
0x1bf: {  	[hbm4b:s18+s2] =	stream.linear.scatter [tilespmem:s19], [sflag:$0x2], $0x400, $0x38;
	[tilespmem:$0x10200] =	vst v63  }
0x1c0: {  	s20 =	sadd.s32 $0x10000, s11;
	s23 =	simm.s32 $0xCE00  }
0x1c1: {  	[hbm4b:s20+s2] =	stream.linear.scatter [tilespmem:s23], [sflag:$0x2], $0x400, $0x38;
	[tilespmem:$0x10200] =	vst v63  }
0x1c2: {  	s24 =	sadd.s32 $0x14000, s11;
	s25 =	simm.s32 $0xDE00  }
0x1c3: {  	[hbm4b:s24+s2] =	stream.linear.scatter [tilespmem:s25], [sflag:$0x2], $0x400, $0x38;
	[tilespmem:$0x10200] =	vst v63  }
0x1c4: {  	s26 =	sadd.s32 $0x18000, s11;
	s28 =	simm.s32 $0xEE00  }
0x1c5: {  	[hbm4b:s26+s2] =	stream.linear.scatter [tilespmem:s28], [sflag:$0x2], $0x400, $0x38;
	[tilespmem:$0x10200] =	vst v63  }
0x1c6: {  	s30 =	sadd.s32 $0x1C000, s11;
	s31 =	simm.s32 $0xFE00  }
0x1c7: {  	[hbm4b:s30+s2] =	stream.linear.scatter [tilespmem:s31], [sflag:$0x2], $0x400, $0x38;
	[tilespmem:$0x10200] =	vst v63  }
0x1c8: {  	_ =	swait.ge [sflag:s16], $0x2000  }
0x1c9: {  	[sflag:s16] =	ssyncset.done $0x0  }
0x1ca: {  	[sflag:s16] =	ssyncadd.s32 $0xFFFFE000  }
0x1cb: {  	_ =	swait.ge [sflag:s16], $0x2000  }
0x1cc: {  	[sflag:s16] =	ssyncset.done $0x0  }
0x1cd: {  	s29 =	sadd.s32 $0x1, s29;
	[sflag:s16] =	ssyncadd.s32 $0xFFFFE000  }
0x1ce: {  	p0 =	sne.s32 s29, s12;
	_ =	swait.ge [sflag:s16], $0x2000  }
.Ltmp4:
0x1cf: {  	[sflag:s16] =	ssyncset.done $0x0;
	(pc) =	sbr.rel @p0 .LBB2_1-.Ltmp4, $4  }
0x1d0: {  	[sflag:s16] =	ssyncadd.s32 $0xFFFFE000  }
0x1d1: {  	_ =	swait.ge [sflag:s16], $0x2000  }
0x1d2: {  	[sflag:s16] =	ssyncset.done $0x0;
	v0 =	vld [tilespmem:$0x1FFA0]  }
0x1d3: {  	v1 =	vld [tilespmem:$0x1FFB0];
	[sflag:s16] =	ssyncadd.s32 $0xFFFFE000  }
0x1d4: {  	_ =	sfence.sel $0x180000  }
0x1d5: {  	[bflag:$0x0] =	sbarrier.arrive $0xFFFF  }
0x1d6: {  	_ =	strace $0x90000047  }
0x1d7: {  	s0 =	stileid.u32;
	[bflag:$0x2] =	sbarrier.arrive $0xFFFF  }
0x1d8: {  	p0 =	sne.s32 s0, $0x0;
	s0 =	rddreg [dreg:$0x2]  }
0x1d9: {  	s0 =	sadd.s32 @!p0 $0x100000, s0  }
0x1da: {  	[sflag:s0] =	ssyncadd.tile.s32 @!p0 $0x1;
	_ =	shalt  }
.Lfunc_end2:
_tile_overlayer_lowered:
.L_overlay_start_2:
0x1db: {  	(tag) =	ssettag $0x2  }
0x1dc: {  	s0 =	rddreg [dreg:$0x0];
	s2 =	stileid.u32  }
0x1dd: {  	s1 =	rddreg [dreg:$0x1];
	p0 =	sne.s32 s2, $0x0  }
0x1de: {  	s3 =	rddreg [dreg:$0x2];
	[bflag:$0x3] =	sbarrier.arrive $0xFFFF;
	s2 =	simm.s32 @!p0 $0x1C03  }
0x1df: {  	[timem:s3], [sflag:s2] =	dma.local @!p0 [hbm:s0], s1  }
0x1e0: {  	s0 =	simm.s32 @!p0 $0x3  }
0x1e1: {  	_ =	swait.ge @!p0 [sflag:s0], s1  }
0x1e2: {  	s1 =	ssub.s32 @!p0 $0x0, s1;
	[sflag:s0] =	ssyncset.done @!p0 $0x0  }
0x1e3: {  	[sflag:s0] =	ssyncadd.s32 @!p0 s1  }
0x1e4: {  	[bflag:$0x3] =	sbarrier.arrive $0xFFFF  }
0x1e5: {  	_ =	shalt  }

</sc_bundles>
